<compile_context>
chip_gen: v7x
topology: tpu7x:2x2x1
jax: 0.10.2.dev20260603
libtpu: 0.0.44.dev20260713+nightly
codegen_flags: <defaults>
</compile_context>

<pallas_src>
import functools

import jax
import jax.numpy as jnp
from jax import lax
from jax.experimental import pallas as pl
from jax.experimental.pallas import tpu as pltpu
from jax.experimental.pallas import tpu_sc as plsc

_POOL = 1024
_SEL = 4
_PLEN = 8
_DIM = 768
_BATCH = 1024


def _select_body(q_ref, k_ref, f_ref, mrows_ref, mosts_ref, match_ref):
    q = q_ref[...]
    kp = k_ref[...]
    f = f_ref[...]
    dot = lax.dot_general(q, kp, (((1,), (1,)), ((), ())),
                          preferred_element_type=jnp.float32)
    qn = jnp.sqrt(jnp.sum(q * q, axis=1, keepdims=True))
    kn = jnp.sqrt(jnp.sum(kp * kp, axis=1))
    denom = jnp.maximum(qn * kn.reshape(1, _POOL), 1e-8)
    match = dot / denom
    match_ref[...] = match
    inv = 1.0 / f
    w = inv / jnp.sum(jnp.abs(inv))

    colid = lax.broadcasted_iota(jnp.int32, (_BATCH, _POOL), 1)
    a = match * w.reshape(1, _POOL)
    selmask = jnp.zeros((_BATCH, _POOL), jnp.bool_)
    neg = jnp.float32(-jnp.inf)
    for s in range(_SEL):
        idx = jnp.argmax(a, axis=1).astype(jnp.int32)
        hit = colid == idx[:, None]
        selmask = selmask | hit
        if s + 1 < _SEL:
            a = jnp.where(hit, neg, a)
    counts = jnp.sum(selmask.astype(jnp.int32), axis=0)

    c = counts.reshape(1, _POOL)
    pid = lax.broadcasted_iota(jnp.int32, (1, _POOL), 1)
    lane16 = lax.broadcasted_iota(jnp.int32, (1, 16), 1)
    mvec = jnp.zeros((1, 16), jnp.int32)
    for s in range(_SEL):
        mx = jnp.max(c)
        midx = jnp.min(jnp.where(c == mx, pid, _POOL))
        c = jnp.where(pid == midx, jnp.int32(-1), c)
        mvec = jnp.where(lane16 == s, midx, mvec)
        mrows_ref[pl.ds(s, 1), :] = match_ref[pl.ds(midx, 1), :]
    mosts_ref[...] = mvec.reshape(16)


_stage_select = pl.pallas_call(
    _select_body,
    out_shape=(
        jax.ShapeDtypeStruct((_SEL, _POOL), jnp.float32),
        jax.ShapeDtypeStruct((16,), jnp.int32),
    ),
    scratch_shapes=[pltpu.VMEM((_BATCH, _POOL), jnp.float32)],
)


@functools.cache
def _make_bcast():
    info = plsc.get_sparse_core_info()
    nc, ns = info.num_cores, info.num_subcores
    rows_per = _BATCH // (nc * ns)
    mesh = plsc.VectorSubcoreMesh(core_axis_name="c", subcore_axis_name="s")

    @functools.partial(
        pl.kernel,
        mesh=mesh,
        out_type=[
            jax.ShapeDtypeStruct((_BATCH, _SEL, _PLEN, _DIM), jnp.float32),
        ],
        scratch_types=[
            pltpu.VMEM((_SEL,), jnp.int32),
            pltpu.VMEM((_SEL, _PLEN, _DIM), jnp.float32),
            pltpu.SemaphoreType.DMA,
        ],
    )
    def _bcast(mosts_hbm, prompt_hbm, psel_hbm, idx_v, prows_v, sem):
        wid = lax.axis_index("s") * nc + lax.axis_index("c")
        base = wid * rows_per
        pltpu.sync_copy(mosts_hbm.at[pl.ds(0, _SEL)], idx_v)
        pltpu.async_copy(prompt_hbm.at[idx_v], prows_v, sem).wait()
        pending = []
        for b in range(rows_per):
            pending.append(
                pltpu.async_copy(prows_v, psel_hbm.at[base + b], sem))
            while len(pending) > 8:
                pending.pop(0).wait()
        for d in pending:
            d.wait()

    return _bcast


_TILE_B = 128


def _tile_body(mrows_ref, out_ref):
    out_ref[...] = jnp.broadcast_to(mrows_ref[...][None],
                                    (_TILE_B, _SEL, _POOL))


_tile_mrows = pl.pallas_call(
    _tile_body,
    grid=(_BATCH // _TILE_B,),
    in_specs=[pl.BlockSpec((_SEL, _POOL), lambda i: (0, 0))],
    out_specs=pl.BlockSpec((_TILE_B, _SEL, _POOL), lambda i: (i, 0, 0)),
    out_shape=jax.ShapeDtypeStruct((_BATCH, _SEL, _POOL), jnp.float32),
)


def kernel(query, key_param, prompt, frequency):
    mrows, mosts16 = _stage_select(query, key_param, frequency)
    (prompt_sel,) = _make_bcast()(mosts16, prompt)
    match_sel = _tile_mrows(mrows)
    return match_sel, prompt_sel

# --- scband reference (transcript-rebuilt; emitter-appended) ---
"""Pipeline reference for scband-prompt-42365557408332 (READ-ONLY COPY).

The authoritative reference and input builder live on the scoring server;
editing this copy changes nothing except your own understanding.
"""

import jax, jax.numpy as jnp
import numpy as np

POOL = 1024
SEL = 4
PLEN = 8
DIM = 768
BATCH = 1024


def setup_inputs(seed: int = 0) -> dict:
    key = jax.random.key(seed)
    k1, k2, k3 = jax.random.split(key, 3)
    query = jax.random.normal(k1, (BATCH, DIM), dtype=jnp.float32)
    key_param = jax.random.uniform(k2, (POOL, DIM), minval=-1.0, maxval=1.0, dtype=jnp.float32)
    prompt = jax.random.uniform(k3, (POOL, PLEN, DIM), minval=-1.0, maxval=1.0, dtype=jnp.float32)
    frequency = jnp.ones((POOL,), dtype=jnp.float32)
    return {"query": query, "key_param": key_param, "prompt": prompt, "frequency": frequency}


def reference(query, key_param, prompt, frequency):
    # cosine similarity: query [B, D] vs key_param [P, D] -> match [B, P]
    qn = jnp.linalg.norm(query, axis=-1)          # [B]
    kn = jnp.linalg.norm(key_param, axis=-1)      # [P]
    dot = query @ key_param.T                     # [B, P]
    match = dot / jnp.maximum(qn[:, None] * kn[None, :], 1e-8)
    # training branch: scale by L1-normalized inverse frequency (uniform when frequency==1)
    inv = 1.0 / frequency
    w = inv / jnp.sum(jnp.abs(inv))
    scaled = match * w[None, :]
    # per-sample top-k selection (descending, sorted)
    _, topk = jax.lax.top_k(scaled, SEL)          # [B, SEL] pool indices
    # batchwise selection: most frequent pool ids across the batch
    counts = jnp.bincount(topk.reshape(-1), length=POOL)
    _, mosts = jax.lax.top_k(counts, SEL)         # [SEL] pool ids, most frequent first
    topk = jnp.tile(mosts[None, :], (BATCH, 1))   # [B, SEL]
    # faithful to torch: match[topk] indexes rows of match -> [B, SEL, P]
    match_sel = jnp.take(match, topk, axis=0)
    # prompt gather -> [B, SEL, PLEN, DIM]
    prompt_sel = jnp.take(prompt, topk, axis=0)
    return (match_sel, prompt_sel)

if __name__ == "__main__":
    import jax
    _d = setup_inputs()
    print(jax.jit(kernel)(*tuple(_d.values())))

</pallas_src>

<mosaic_0001>
#map = affine_map<(d0, d1) -> (0)>
#map1 = affine_map<(d0, d1) -> (0, 0, 0)>
#map2 = affine_map<(d0, d1) -> (0, 0, 0, 0)>
module attributes {stable_mosaic.version = 14 : i64} {
  func.func @_bcast(%arg0: i32, %arg1: i32, %arg2: memref<16xi32, #tpu.memory_space<hbm>>, %arg3: memref<1024x8x768xf32, #tpu.memory_space<hbm>>, %arg4: memref<1024x4x8x768xf32, #tpu.memory_space<hbm>>, %arg5: memref<4xi32, #tpu.memory_space<vmem>>, %arg6: memref<4x8x768xf32, #tpu.memory_space<vmem>>, %arg7: memref<!tpu.dma_semaphore, #tpu.memory_space<semaphore_mem>>) attributes {dimension_semantics = [#tpu.dimension_semantics<core_parallel>, #tpu.dimension_semantics<subcore_parallel>], iteration_bounds = array<i64: 2, 16>, scalar_prefetch = 0 : i64, scratch_operands = 3 : i64, tpu.core_type = #tpu.core_type<sc_vector_subcore>, window_params = [{transform_indices = #map}, {transform_indices = #map1}, {transform_indices = #map2}]} {
    %mul3A = arith.constant 2 : i32
    %mul3A_0 = arith.muli %arg1, %mul3A : i32
    %add3A = arith.addi %mul3A_0, %arg0 : i32
    %mul3A_1 = arith.constant 32 : i32
    %mul3A_2 = arith.muli %add3A, %mul3A_1 : i32
    "tpu.region"() ({
      %run_scoped3A = tpu.sem_alloc : memref<!tpu.dma_semaphore, #tpu.memory_space<semaphore_mem>>
      %dma_start3A_713 = arith.constant 0 : i32
      %dma_start3A_714 = tpu.memref_slice %arg2[%dma_start3A_713] : memref<16xi32, #tpu.memory_space<hbm>> -> memref<4xi32, #tpu.memory_space<hbm>>
      %dma_start3A_715 = arith.constant 0 : i32
      %dma_start3A_716 = tpu.memref_slice %arg2[%dma_start3A_715] : memref<16xi32, #tpu.memory_space<hbm>> -> memref<4xi32, #tpu.memory_space<hbm>>
      tpu.enqueue_dma source(%dma_start3A_716 : memref<4xi32, #tpu.memory_space<hbm>>) target(%arg5 : memref<4xi32, #tpu.memory_space<vmem>>) target_semaphore(%run_scoped3A : memref<!tpu.dma_semaphore, #tpu.memory_space<semaphore_mem>>)
      %dma_wait3A_717 = arith.constant 0 : i32
      %dma_wait3A_718 = tpu.memref_slice %arg2[%dma_wait3A_717] : memref<16xi32, #tpu.memory_space<hbm>> -> memref<4xi32, #tpu.memory_space<hbm>>
      %dma_wait3A_719 = arith.constant 0 : i32
      %dma_wait3A_720 = tpu.memref_slice %arg2[%dma_wait3A_719] : memref<16xi32, #tpu.memory_space<hbm>> -> memref<4xi32, #tpu.memory_space<hbm>>
      tpu.wait_dma2 semaphore(%run_scoped3A : memref<!tpu.dma_semaphore, #tpu.memory_space<semaphore_mem>>) src(%dma_wait3A_720 : memref<4xi32, #tpu.memory_space<hbm>>) dst(%arg5 : memref<4xi32, #tpu.memory_space<vmem>>)
      tpu.yield
    }) : () -> ()
    %dma_start3A = arith.constant 0 : i32
    %dma_start3A_3 = arith.constant 0 : i32
    %dma_start3A_4 = arith.constant 0 : i32
    %dma_start3A_5 = tpu.memref_slice %arg3[%dma_start3A, %dma_start3A_3, %dma_start3A_4] : memref<1024x8x768xf32, #tpu.memory_space<hbm>> -> memref<1024x8x768xf32, #tpu.memory_space<hbm>>
    tpu.enqueue_indirect_dma source(%dma_start3A_5 : memref<1024x8x768xf32, #tpu.memory_space<hbm>>) target(%arg6 : memref<4x8x768xf32, #tpu.memory_space<vmem>>) offsets(%arg5 : memref<4xi32, #tpu.memory_space<vmem>>) semaphore(%arg7 : memref<!tpu.dma_semaphore, #tpu.memory_space<semaphore_mem>>)
    %dma_wait3A = arith.constant 0 : i32
    %dma_wait3A_6 = arith.constant 0 : i32
    %dma_wait3A_7 = arith.constant 0 : i32
    %dma_wait3A_8 = tpu.memref_slice %arg3[%dma_wait3A, %dma_wait3A_6, %dma_wait3A_7] : memref<1024x8x768xf32, #tpu.memory_space<hbm>> -> memref<1024x8x768xf32, #tpu.memory_space<hbm>>
    tpu.wait_indirect_dma semaphore(%arg7 : memref<!tpu.dma_semaphore, #tpu.memory_space<semaphore_mem>>) src(%dma_wait3A_8 : memref<1024x8x768xf32, #tpu.memory_space<hbm>>) dst(%arg6 : memref<4x8x768xf32, #tpu.memory_space<vmem>>)
    %add3A_9 = arith.constant 0 : i32
    %add3A_10 = arith.addi %mul3A_2, %add3A_9 : i32
    %dma_start3A_11 = arith.constant 0 : i32
    %dma_start3A_12 = arith.constant 0 : i32
    %dma_start3A_13 = arith.constant 0 : i32
    %dma_start3A_14 = tpu.memref_slice %arg4[%add3A_10, %dma_start3A_11, %dma_start3A_12, %dma_start3A_13] : memref<1024x4x8x768xf32, #tpu.memory_space<hbm>> -> memref<1x4x8x768xf32, #tpu.memory_space<hbm>>
    %dma_start3A_15 = tpu.memref_squeeze %dma_start3A_14 : memref<1x4x8x768xf32, #tpu.memory_space<hbm>> -> memref<4x8x768xf32, #tpu.memory_space<hbm>>
    %dma_start3A_16 = arith.constant 0 : i32
    %dma_start3A_17 = arith.constant 0 : i32
    %dma_start3A_18 = arith.constant 0 : i32
    %dma_start3A_19 = tpu.memref_slice %arg4[%add3A_10, %dma_start3A_16, %dma_start3A_17, %dma_start3A_18] : memref<1024x4x8x768xf32, #tpu.memory_space<hbm>> -> memref<1x4x8x768xf32, #tpu.memory_space<hbm>>
    %dma_start3A_20 = tpu.memref_squeeze %dma_start3A_19 : memref<1x4x8x768xf32, #tpu.memory_space<hbm>> -> memref<4x8x768xf32, #tpu.memory_space<hbm>>
    tpu.enqueue_dma source(%arg6 : memref<4x8x768xf32, #tpu.memory_space<vmem>>) target(%dma_start3A_20 : memref<4x8x768xf32, #tpu.memory_space<hbm>>) target_semaphore(%arg7 : memref<!tpu.dma_semaphore, #tpu.memory_space<semaphore_mem>>)
    %add3A_21 = arith.constant 1 : i32
    %add3A_22 = arith.addi %mul3A_2, %add3A_21 : i32
    %dma_start3A_23 = arith.constant 0 : i32
    %dma_start3A_24 = arith.constant 0 : i32
    %dma_start3A_25 = arith.constant 0 : i32
    %dma_start3A_26 = tpu.memref_slice %arg4[%add3A_22, %dma_start3A_23, %dma_start3A_24, %dma_start3A_25] : memref<1024x4x8x768xf32, #tpu.memory_space<hbm>> -> memref<1x4x8x768xf32, #tpu.memory_space<hbm>>
    %dma_start3A_27 = tpu.memref_squeeze %dma_start3A_26 : memref<1x4x8x768xf32, #tpu.memory_space<hbm>> -> memref<4x8x768xf32, #tpu.memory_space<hbm>>
    %dma_start3A_28 = arith.constant 0 : i32
    %dma_start3A_29 = arith.constant 0 : i32
    %dma_start3A_30 = arith.constant 0 : i32
    %dma_start3A_31 = tpu.memref_slice %arg4[%add3A_22, %dma_start3A_28, %dma_start3A_29, %dma_start3A_30] : memref<1024x4x8x768xf32, #tpu.memory_space<hbm>> -> memref<1x4x8x768xf32, #tpu.memory_space<hbm>>
    %dma_start3A_32 = tpu.memref_squeeze %dma_start3A_31 : memref<1x4x8x768xf32, #tpu.memory_space<hbm>> -> memref<4x8x768xf32, #tpu.memory_space<hbm>>
    tpu.enqueue_dma source(%arg6 : memref<4x8x768xf32, #tpu.memory_space<vmem>>) target(%dma_start3A_32 : memref<4x8x768xf32, #tpu.memory_space<hbm>>) target_semaphore(%arg7 : memref<!tpu.dma_semaphore, #tpu.memory_space<semaphore_mem>>)
    %add3A_33 = arith.constant 2 : i32
    %add3A_34 = arith.addi %mul3A_2, %add3A_33 : i32
    %dma_start3A_35 = arith.constant 0 : i32
    %dma_start3A_36 = arith.constant 0 : i32
    %dma_start3A_37 = arith.constant 0 : i32
    %dma_start3A_38 = tpu.memref_slice %arg4[%add3A_34, %dma_start3A_35, %dma_start3A_36, %dma_start3A_37] : memref<1024x4x8x768xf32, #tpu.memory_space<hbm>> -> memref<1x4x8x768xf32, #tpu.memory_space<hbm>>
    %dma_start3A_39 = tpu.memref_squeeze %dma_start3A_38 : memref<1x4x8x768xf32, #tpu.memory_space<hbm>> -> memref<4x8x768xf32, #tpu.memory_space<hbm>>
    %dma_start3A_40 = arith.constant 0 : i32
    %dma_start3A_41 = arith.constant 0 : i32
    %dma_start3A_42 = arith.constant 0 : i32
    %dma_start3A_43 = tpu.memref_slice %arg4[%add3A_34, %dma_start3A_40, %dma_start3A_41, %dma_start3A_42] : memref<1024x4x8x768xf32, #tpu.memory_space<hbm>> -> memref<1x4x8x768xf32, #tpu.memory_space<hbm>>
    %dma_start3A_44 = tpu.memref_squeeze %dma_start3A_43 : memref<1x4x8x768xf32, #tpu.memory_space<hbm>> -> memref<4x8x768xf32, #tpu.memory_space<hbm>>
    tpu.enqueue_dma source(%arg6 : memref<4x8x768xf32, #tpu.memory_space<vmem>>) target(%dma_start3A_44 : memref<4x8x768xf32, #tpu.memory_space<hbm>>) target_semaphore(%arg7 : memref<!tpu.dma_semaphore, #tpu.memory_space<semaphore_mem>>)
    %add3A_45 = arith.constant 3 : i32
    %add3A_46 = arith.addi %mul3A_2, %add3A_45 : i32
    %dma_start3A_47 = arith.constant 0 : i32
    %dma_start3A_48 = arith.constant 0 : i32
    %dma_start3A_49 = arith.constant 0 : i32
    %dma_start3A_50 = tpu.memref_slice %arg4[%add3A_46, %dma_start3A_47, %dma_start3A_48, %dma_start3A_49] : memref<1024x4x8x768xf32, #tpu.memory_space<hbm>> -> memref<1x4x8x768xf32, #tpu.memory_space<hbm>>
    %dma_start3A_51 = tpu.memref_squeeze %dma_start3A_50 : memref<1x4x8x768xf32, #tpu.memory_space<hbm>> -> memref<4x8x768xf32, #tpu.memory_space<hbm>>
    %dma_start3A_52 = arith.constant 0 : i32
    %dma_start3A_53 = arith.constant 0 : i32
    %dma_start3A_54 = arith.constant 0 : i32
    %dma_start3A_55 = tpu.memref_slice %arg4[%add3A_46, %dma_start3A_52, %dma_start3A_53, %dma_start3A_54] : memref<1024x4x8x768xf32, #tpu.memory_space<hbm>> -> memref<1x4x8x768xf32, #tpu.memory_space<hbm>>
    %dma_start3A_56 = tpu.memref_squeeze %dma_start3A_55 : memref<1x4x8x768xf32, #tpu.memory_space<hbm>> -> memref<4x8x768xf32, #tpu.memory_space<hbm>>
    tpu.enqueue_dma source(%arg6 : memref<4x8x768xf32, #tpu.memory_space<vmem>>) target(%dma_start3A_56 : memref<4x8x768xf32, #tpu.memory_space<hbm>>) target_semaphore(%arg7 : memref<!tpu.dma_semaphore, #tpu.memory_space<semaphore_mem>>)
    %add3A_57 = arith.constant 4 : i32
    %add3A_58 = arith.addi %mul3A_2, %add3A_57 : i32
    %dma_start3A_59 = arith.constant 0 : i32
    %dma_start3A_60 = arith.constant 0 : i32
    %dma_start3A_61 = arith.constant 0 : i32
    %dma_start3A_62 = tpu.memref_slice %arg4[%add3A_58, %dma_start3A_59, %dma_start3A_60, %dma_start3A_61] : memref<1024x4x8x768xf32, #tpu.memory_space<hbm>> -> memref<1x4x8x768xf32, #tpu.memory_space<hbm>>
    %dma_start3A_63 = tpu.memref_squeeze %dma_start3A_62 : memref<1x4x8x768xf32, #tpu.memory_space<hbm>> -> memref<4x8x768xf32, #tpu.memory_space<hbm>>
    %dma_start3A_64 = arith.constant 0 : i32
    %dma_start3A_65 = arith.constant 0 : i32
    %dma_start3A_66 = arith.constant 0 : i32
    %dma_start3A_67 = tpu.memref_slice %arg4[%add3A_58, %dma_start3A_64, %dma_start3A_65, %dma_start3A_66] : memref<1024x4x8x768xf32, #tpu.memory_space<hbm>> -> memref<1x4x8x768xf32, #tpu.memory_space<hbm>>
    %dma_start3A_68 = tpu.memref_squeeze %dma_start3A_67 : memref<1x4x8x768xf32, #tpu.memory_space<hbm>> -> memref<4x8x768xf32, #tpu.memory_space<hbm>>
    tpu.enqueue_dma source(%arg6 : memref<4x8x768xf32, #tpu.memory_space<vmem>>) target(%dma_start3A_68 : memref<4x8x768xf32, #tpu.memory_space<hbm>>) target_semaphore(%arg7 : memref<!tpu.dma_semaphore, #tpu.memory_space<semaphore_mem>>)
    %add3A_69 = arith.constant 5 : i32
    %add3A_70 = arith.addi %mul3A_2, %add3A_69 : i32
    %dma_start3A_71 = arith.constant 0 : i32
    %dma_start3A_72 = arith.constant 0 : i32
    %dma_start3A_73 = arith.constant 0 : i32
    %dma_start3A_74 = tpu.memref_slice %arg4[%add3A_70, %dma_start3A_71, %dma_start3A_72, %dma_start3A_73] : memref<1024x4x8x768xf32, #tpu.memory_space<hbm>> -> memref<1x4x8x768xf32, #tpu.memory_space<hbm>>
    %dma_start3A_75 = tpu.memref_squeeze %dma_start3A_74 : memref<1x4x8x768xf32, #tpu.memory_space<hbm>> -> memref<4x8x768xf32, #tpu.memory_space<hbm>>
    %dma_start3A_76 = arith.constant 0 : i32
    %dma_start3A_77 = arith.constant 0 : i32
    %dma_start3A_78 = arith.constant 0 : i32
    %dma_start3A_79 = tpu.memref_slice %arg4[%add3A_70, %dma_start3A_76, %dma_start3A_77, %dma_start3A_78] : memref<1024x4x8x768xf32, #tpu.memory_space<hbm>> -> memref<1x4x8x768xf32, #tpu.memory_space<hbm>>
    %dma_start3A_80 = tpu.memref_squeeze %dma_start3A_79 : memref<1x4x8x768xf32, #tpu.memory_space<hbm>> -> memref<4x8x768xf32, #tpu.memory_space<hbm>>
    tpu.enqueue_dma source(%arg6 : memref<4x8x768xf32, #tpu.memory_space<vmem>>) target(%dma_start3A_80 : memref<4x8x768xf32, #tpu.memory_space<hbm>>) target_semaphore(%arg7 : memref<!tpu.dma_semaphore, #tpu.memory_space<semaphore_mem>>)
    %add3A_81 = arith.constant 6 : i32
    %add3A_82 = arith.addi %mul3A_2, %add3A_81 : i32
    %dma_start3A_83 = arith.constant 0 : i32
    %dma_start3A_84 = arith.constant 0 : i32
    %dma_start3A_85 = arith.constant 0 : i32
    %dma_start3A_86 = tpu.memref_slice %arg4[%add3A_82, %dma_start3A_83, %dma_start3A_84, %dma_start3A_85] : memref<1024x4x8x768xf32, #tpu.memory_space<hbm>> -> memref<1x4x8x768xf32, #tpu.memory_space<hbm>>
    %dma_start3A_87 = tpu.memref_squeeze %dma_start3A_86 : memref<1x4x8x768xf32, #tpu.memory_space<hbm>> -> memref<4x8x768xf32, #tpu.memory_space<hbm>>
    %dma_start3A_88 = arith.constant 0 : i32
    %dma_start3A_89 = arith.constant 0 : i32
    %dma_start3A_90 = arith.constant 0 : i32
    %dma_start3A_91 = tpu.memref_slice %arg4[%add3A_82, %dma_start3A_88, %dma_start3A_89, %dma_start3A_90] : memref<1024x4x8x768xf32, #tpu.memory_space<hbm>> -> memref<1x4x8x768xf32, #tpu.memory_space<hbm>>
    %dma_start3A_92 = tpu.memref_squeeze %dma_start3A_91 : memref<1x4x8x768xf32, #tpu.memory_space<hbm>> -> memref<4x8x768xf32, #tpu.memory_space<hbm>>
    tpu.enqueue_dma source(%arg6 : memref<4x8x768xf32, #tpu.memory_space<vmem>>) target(%dma_start3A_92 : memref<4x8x768xf32, #tpu.memory_space<hbm>>) target_semaphore(%arg7 : memref<!tpu.dma_semaphore, #tpu.memory_space<semaphore_mem>>)
    %add3A_93 = arith.constant 7 : i32
    %add3A_94 = arith.addi %mul3A_2, %add3A_93 : i32
    %dma_start3A_95 = arith.constant 0 : i32
    %dma_start3A_96 = arith.constant 0 : i32
    %dma_start3A_97 = arith.constant 0 : i32
    %dma_start3A_98 = tpu.memref_slice %arg4[%add3A_94, %dma_start3A_95, %dma_start3A_96, %dma_start3A_97] : memref<1024x4x8x768xf32, #tpu.memory_space<hbm>> -> memref<1x4x8x768xf32, #tpu.memory_space<hbm>>
    %dma_start3A_99 = tpu.memref_squeeze %dma_start3A_98 : memref<1x4x8x768xf32, #tpu.memory_space<hbm>> -> memref<4x8x768xf32, #tpu.memory_space<hbm>>
    %dma_start3A_100 = arith.constant 0 : i32
    %dma_start3A_101 = arith.constant 0 : i32
    %dma_start3A_102 = arith.constant 0 : i32
    %dma_start3A_103 = tpu.memref_slice %arg4[%add3A_94, %dma_start3A_100, %dma_start3A_101, %dma_start3A_102] : memref<1024x4x8x768xf32, #tpu.memory_space<hbm>> -> memref<1x4x8x768xf32, #tpu.memory_space<hbm>>
    %dma_start3A_104 = tpu.memref_squeeze %dma_start3A_103 : memref<1x4x8x768xf32, #tpu.memory_space<hbm>> -> memref<4x8x768xf32, #tpu.memory_space<hbm>>
    tpu.enqueue_dma source(%arg6 : memref<4x8x768xf32, #tpu.memory_space<vmem>>) target(%dma_start3A_104 : memref<4x8x768xf32, #tpu.memory_space<hbm>>) target_semaphore(%arg7 : memref<!tpu.dma_semaphore, #tpu.memory_space<semaphore_mem>>)
    %add3A_105 = arith.constant 8 : i32
    %add3A_106 = arith.addi %mul3A_2, %add3A_105 : i32
    %dma_start3A_107 = arith.constant 0 : i32
    %dma_start3A_108 = arith.constant 0 : i32
    %dma_start3A_109 = arith.constant 0 : i32
    %dma_start3A_110 = tpu.memref_slice %arg4[%add3A_106, %dma_start3A_107, %dma_start3A_108, %dma_start3A_109] : memref<1024x4x8x768xf32, #tpu.memory_space<hbm>> -> memref<1x4x8x768xf32, #tpu.memory_space<hbm>>
    %dma_start3A_111 = tpu.memref_squeeze %dma_start3A_110 : memref<1x4x8x768xf32, #tpu.memory_space<hbm>> -> memref<4x8x768xf32, #tpu.memory_space<hbm>>
    %dma_start3A_112 = arith.constant 0 : i32
    %dma_start3A_113 = arith.constant 0 : i32
    %dma_start3A_114 = arith.constant 0 : i32
    %dma_start3A_115 = tpu.memref_slice %arg4[%add3A_106, %dma_start3A_112, %dma_start3A_113, %dma_start3A_114] : memref<1024x4x8x768xf32, #tpu.memory_space<hbm>> -> memref<1x4x8x768xf32, #tpu.memory_space<hbm>>
    %dma_start3A_116 = tpu.memref_squeeze %dma_start3A_115 : memref<1x4x8x768xf32, #tpu.memory_space<hbm>> -> memref<4x8x768xf32, #tpu.memory_space<hbm>>
    tpu.enqueue_dma source(%arg6 : memref<4x8x768xf32, #tpu.memory_space<vmem>>) target(%dma_start3A_116 : memref<4x8x768xf32, #tpu.memory_space<hbm>>) target_semaphore(%arg7 : memref<!tpu.dma_semaphore, #tpu.memory_space<semaphore_mem>>)
    %dma_wait3A_117 = arith.constant 0 : i32
    %dma_wait3A_118 = arith.constant 0 : i32
    %dma_wait3A_119 = arith.constant 0 : i32
    %dma_wait3A_120 = tpu.memref_slice %arg4[%add3A_10, %dma_wait3A_117, %dma_wait3A_118, %dma_wait3A_119] : memref<1024x4x8x768xf32, #tpu.memory_space<hbm>> -> memref<1x4x8x768xf32, #tpu.memory_space<hbm>>
    %dma_wait3A_121 = tpu.memref_squeeze %dma_wait3A_120 : memref<1x4x8x768xf32, #tpu.memory_space<hbm>> -> memref<4x8x768xf32, #tpu.memory_space<hbm>>
    %dma_wait3A_122 = arith.constant 0 : i32
    %dma_wait3A_123 = arith.constant 0 : i32
    %dma_wait3A_124 = arith.constant 0 : i32
    %dma_wait3A_125 = tpu.memref_slice %arg4[%add3A_10, %dma_wait3A_122, %dma_wait3A_123, %dma_wait3A_124] : memref<1024x4x8x768xf32, #tpu.memory_space<hbm>> -> memref<1x4x8x768xf32, #tpu.memory_space<hbm>>
    %dma_wait3A_126 = tpu.memref_squeeze %dma_wait3A_125 : memref<1x4x8x768xf32, #tpu.memory_space<hbm>> -> memref<4x8x768xf32, #tpu.memory_space<hbm>>
    tpu.wait_dma2 semaphore(%arg7 : memref<!tpu.dma_semaphore, #tpu.memory_space<semaphore_mem>>) src(%arg6 : memref<4x8x768xf32, #tpu.memory_space<vmem>>) dst(%dma_wait3A_126 : memref<4x8x768xf32, #tpu.memory_space<hbm>>)
    %add3A_127 = arith.constant 9 : i32
    %add3A_128 = arith.addi %mul3A_2, %add3A_127 : i32
    %dma_start3A_129 = arith.constant 0 : i32
    %dma_start3A_130 = arith.constant 0 : i32
    %dma_start3A_131 = arith.constant 0 : i32
    %dma_start3A_132 = tpu.memref_slice %arg4[%add3A_128, %dma_start3A_129, %dma_start3A_130, %dma_start3A_131] : memref<1024x4x8x768xf32, #tpu.memory_space<hbm>> -> memref<1x4x8x768xf32, #tpu.memory_space<hbm>>
    %dma_start3A_133 = tpu.memref_squeeze %dma_start3A_132 : memref<1x4x8x768xf32, #tpu.memory_space<hbm>> -> memref<4x8x768xf32, #tpu.memory_space<hbm>>
    %dma_start3A_134 = arith.constant 0 : i32
    %dma_start3A_135 = arith.constant 0 : i32
    %dma_start3A_136 = arith.constant 0 : i32
    %dma_start3A_137 = tpu.memref_slice %arg4[%add3A_128, %dma_start3A_134, %dma_start3A_135, %dma_start3A_136] : memref<1024x4x8x768xf32, #tpu.memory_space<hbm>> -> memref<1x4x8x768xf32, #tpu.memory_space<hbm>>
    %dma_start3A_138 = tpu.memref_squeeze %dma_start3A_137 : memref<1x4x8x768xf32, #tpu.memory_space<hbm>> -> memref<4x8x768xf32, #tpu.memory_space<hbm>>
    tpu.enqueue_dma source(%arg6 : memref<4x8x768xf32, #tpu.memory_space<vmem>>) target(%dma_start3A_138 : memref<4x8x768xf32, #tpu.memory_space<hbm>>) target_semaphore(%arg7 : memref<!tpu.dma_semaphore, #tpu.memory_space<semaphore_mem>>)
    %dma_wait3A_139 = arith.constant 0 : i32
    %dma_wait3A_140 = arith.constant 0 : i32
    %dma_wait3A_141 = arith.constant 0 : i32
    %dma_wait3A_142 = tpu.memref_slice %arg4[%add3A_22, %dma_wait3A_139, %dma_wait3A_140, %dma_wait3A_141] : memref<1024x4x8x768xf32, #tpu.memory_space<hbm>> -> memref<1x4x8x768xf32, #tpu.memory_space<hbm>>
    %dma_wait3A_143 = tpu.memref_squeeze %dma_wait3A_142 : memref<1x4x8x768xf32, #tpu.memory_space<hbm>> -> memref<4x8x768xf32, #tpu.memory_space<hbm>>
    %dma_wait3A_144 = arith.constant 0 : i32
    %dma_wait3A_145 = arith.constant 0 : i32
    %dma_wait3A_146 = arith.constant 0 : i32
    %dma_wait3A_147 = tpu.memref_slice %arg4[%add3A_22, %dma_wait3A_144, %dma_wait3A_145, %dma_wait3A_146] : memref<1024x4x8x768xf32, #tpu.memory_space<hbm>> -> memref<1x4x8x768xf32, #tpu.memory_space<hbm>>
    %dma_wait3A_148 = tpu.memref_squeeze %dma_wait3A_147 : memref<1x4x8x768xf32, #tpu.memory_space<hbm>> -> memref<4x8x768xf32, #tpu.memory_space<hbm>>
    tpu.wait_dma2 semaphore(%arg7 : memref<!tpu.dma_semaphore, #tpu.memory_space<semaphore_mem>>) src(%arg6 : memref<4x8x768xf32, #tpu.memory_space<vmem>>) dst(%dma_wait3A_148 : memref<4x8x768xf32, #tpu.memory_space<hbm>>)
    %add3A_149 = arith.constant 10 : i32
    %add3A_150 = arith.addi %mul3A_2, %add3A_149 : i32
    %dma_start3A_151 = arith.constant 0 : i32
    %dma_start3A_152 = arith.constant 0 : i32
    %dma_start3A_153 = arith.constant 0 : i32
    %dma_start3A_154 = tpu.memref_slice %arg4[%add3A_150, %dma_start3A_151, %dma_start3A_152, %dma_start3A_153] : memref<1024x4x8x768xf32, #tpu.memory_space<hbm>> -> memref<1x4x8x768xf32, #tpu.memory_space<hbm>>
    %dma_start3A_155 = tpu.memref_squeeze %dma_start3A_154 : memref<1x4x8x768xf32, #tpu.memory_space<hbm>> -> memref<4x8x768xf32, #tpu.memory_space<hbm>>
    %dma_start3A_156 = arith.constant 0 : i32
    %dma_start3A_157 = arith.constant 0 : i32
    %dma_start3A_158 = arith.constant 0 : i32
    %dma_start3A_159 = tpu.memref_slice %arg4[%add3A_150, %dma_start3A_156, %dma_start3A_157, %dma_start3A_158] : memref<1024x4x8x768xf32, #tpu.memory_space<hbm>> -> memref<1x4x8x768xf32, #tpu.memory_space<hbm>>
    %dma_start3A_160 = tpu.memref_squeeze %dma_start3A_159 : memref<1x4x8x768xf32, #tpu.memory_space<hbm>> -> memref<4x8x768xf32, #tpu.memory_space<hbm>>
    tpu.enqueue_dma source(%arg6 : memref<4x8x768xf32, #tpu.memory_space<vmem>>) target(%dma_start3A_160 : memref<4x8x768xf32, #tpu.memory_space<hbm>>) target_semaphore(%arg7 : memref<!tpu.dma_semaphore, #tpu.memory_space<semaphore_mem>>)
    %dma_wait3A_161 = arith.constant 0 : i32
    %dma_wait3A_162 = arith.constant 0 : i32
    %dma_wait3A_163 = arith.constant 0 : i32
    %dma_wait3A_164 = tpu.memref_slice %arg4[%add3A_34, %dma_wait3A_161, %dma_wait3A_162, %dma_wait3A_163] : memref<1024x4x8x768xf32, #tpu.memory_space<hbm>> -> memref<1x4x8x768xf32, #tpu.memory_space<hbm>>
    %dma_wait3A_165 = tpu.memref_squeeze %dma_wait3A_164 : memref<1x4x8x768xf32, #tpu.memory_space<hbm>> -> memref<4x8x768xf32, #tpu.memory_space<hbm>>
    %dma_wait3A_166 = arith.constant 0 : i32
    %dma_wait3A_167 = arith.constant 0 : i32
    %dma_wait3A_168 = arith.constant 0 : i32
    %dma_wait3A_169 = tpu.memref_slice %arg4[%add3A_34, %dma_wait3A_166, %dma_wait3A_167, %dma_wait3A_168] : memref<1024x4x8x768xf32, #tpu.memory_space<hbm>> -> memref<1x4x8x768xf32, #tpu.memory_space<hbm>>
    %dma_wait3A_170 = tpu.memref_squeeze %dma_wait3A_169 : memref<1x4x8x768xf32, #tpu.memory_space<hbm>> -> memref<4x8x768xf32, #tpu.memory_space<hbm>>
    tpu.wait_dma2 semaphore(%arg7 : memref<!tpu.dma_semaphore, #tpu.memory_space<semaphore_mem>>) src(%arg6 : memref<4x8x768xf32, #tpu.memory_space<vmem>>) dst(%dma_wait3A_170 : memref<4x8x768xf32, #tpu.memory_space<hbm>>)
    %add3A_171 = arith.constant 11 : i32
    %add3A_172 = arith.addi %mul3A_2, %add3A_171 : i32
    %dma_start3A_173 = arith.constant 0 : i32
    %dma_start3A_174 = arith.constant 0 : i32
    %dma_start3A_175 = arith.constant 0 : i32
    %dma_start3A_176 = tpu.memref_slice %arg4[%add3A_172, %dma_start3A_173, %dma_start3A_174, %dma_start3A_175] : memref<1024x4x8x768xf32, #tpu.memory_space<hbm>> -> memref<1x4x8x768xf32, #tpu.memory_space<hbm>>
    %dma_start3A_177 = tpu.memref_squeeze %dma_start3A_176 : memref<1x4x8x768xf32, #tpu.memory_space<hbm>> -> memref<4x8x768xf32, #tpu.memory_space<hbm>>
    %dma_start3A_178 = arith.constant 0 : i32
    %dma_start3A_179 = arith.constant 0 : i32
    %dma_start3A_180 = arith.constant 0 : i32
    %dma_start3A_181 = tpu.memref_slice %arg4[%add3A_172, %dma_start3A_178, %dma_start3A_179, %dma_start3A_180] : memref<1024x4x8x768xf32, #tpu.memory_space<hbm>> -> memref<1x4x8x768xf32, #tpu.memory_space<hbm>>
    %dma_start3A_182 = tpu.memref_squeeze %dma_start3A_181 : memref<1x4x8x768xf32, #tpu.memory_space<hbm>> -> memref<4x8x768xf32, #tpu.memory_space<hbm>>
    tpu.enqueue_dma source(%arg6 : memref<4x8x768xf32, #tpu.memory_space<vmem>>) target(%dma_start3A_182 : memref<4x8x768xf32, #tpu.memory_space<hbm>>) target_semaphore(%arg7 : memref<!tpu.dma_semaphore, #tpu.memory_space<semaphore_mem>>)
    %dma_wait3A_183 = arith.constant 0 : i32
    %dma_wait3A_184 = arith.constant 0 : i32
    %dma_wait3A_185 = arith.constant 0 : i32
    %dma_wait3A_186 = tpu.memref_slice %arg4[%add3A_46, %dma_wait3A_183, %dma_wait3A_184, %dma_wait3A_185] : memref<1024x4x8x768xf32, #tpu.memory_space<hbm>> -> memref<1x4x8x768xf32, #tpu.memory_space<hbm>>
    %dma_wait3A_187 = tpu.memref_squeeze %dma_wait3A_186 : memref<1x4x8x768xf32, #tpu.memory_space<hbm>> -> memref<4x8x768xf32, #tpu.memory_space<hbm>>
    %dma_wait3A_188 = arith.constant 0 : i32
    %dma_wait3A_189 = arith.constant 0 : i32
    %dma_wait3A_190 = arith.constant 0 : i32
    %dma_wait3A_191 = tpu.memref_slice %arg4[%add3A_46, %dma_wait3A_188, %dma_wait3A_189, %dma_wait3A_190] : memref<1024x4x8x768xf32, #tpu.memory_space<hbm>> -> memref<1x4x8x768xf32, #tpu.memory_space<hbm>>
    %dma_wait3A_192 = tpu.memref_squeeze %dma_wait3A_191 : memref<1x4x8x768xf32, #tpu.memory_space<hbm>> -> memref<4x8x768xf32, #tpu.memory_space<hbm>>
    tpu.wait_dma2 semaphore(%arg7 : memref<!tpu.dma_semaphore, #tpu.memory_space<semaphore_mem>>) src(%arg6 : memref<4x8x768xf32, #tpu.memory_space<vmem>>) dst(%dma_wait3A_192 : memref<4x8x768xf32, #tpu.memory_space<hbm>>)
    %add3A_193 = arith.constant 12 : i32
    %add3A_194 = arith.addi %mul3A_2, %add3A_193 : i32
    %dma_start3A_195 = arith.constant 0 : i32
    %dma_start3A_196 = arith.constant 0 : i32
    %dma_start3A_197 = arith.constant 0 : i32
    %dma_start3A_198 = tpu.memref_slice %arg4[%add3A_194, %dma_start3A_195, %dma_start3A_196, %dma_start3A_197] : memref<1024x4x8x768xf32, #tpu.memory_space<hbm>> -> memref<1x4x8x768xf32, #tpu.memory_space<hbm>>
    %dma_start3A_199 = tpu.memref_squeeze %dma_start3A_198 : memref<1x4x8x768xf32, #tpu.memory_space<hbm>> -> memref<4x8x768xf32, #tpu.memory_space<hbm>>
    %dma_start3A_200 = arith.constant 0 : i32
    %dma_start3A_201 = arith.constant 0 : i32
    %dma_start3A_202 = arith.constant 0 : i32
    %dma_start3A_203 = tpu.memref_slice %arg4[%add3A_194, %dma_start3A_200, %dma_start3A_201, %dma_start3A_202] : memref<1024x4x8x768xf32, #tpu.memory_space<hbm>> -> memref<1x4x8x768xf32, #tpu.memory_space<hbm>>
    %dma_start3A_204 = tpu.memref_squeeze %dma_start3A_203 : memref<1x4x8x768xf32, #tpu.memory_space<hbm>> -> memref<4x8x768xf32, #tpu.memory_space<hbm>>
    tpu.enqueue_dma source(%arg6 : memref<4x8x768xf32, #tpu.memory_space<vmem>>) target(%dma_start3A_204 : memref<4x8x768xf32, #tpu.memory_space<hbm>>) target_semaphore(%arg7 : memref<!tpu.dma_semaphore, #tpu.memory_space<semaphore_mem>>)
    %dma_wait3A_205 = arith.constant 0 : i32
    %dma_wait3A_206 = arith.constant 0 : i32
    %dma_wait3A_207 = arith.constant 0 : i32
    %dma_wait3A_208 = tpu.memref_slice %arg4[%add3A_58, %dma_wait3A_205, %dma_wait3A_206, %dma_wait3A_207] : memref<1024x4x8x768xf32, #tpu.memory_space<hbm>> -> memref<1x4x8x768xf32, #tpu.memory_space<hbm>>
    %dma_wait3A_209 = tpu.memref_squeeze %dma_wait3A_208 : memref<1x4x8x768xf32, #tpu.memory_space<hbm>> -> memref<4x8x768xf32, #tpu.memory_space<hbm>>
    %dma_wait3A_210 = arith.constant 0 : i32
    %dma_wait3A_211 = arith.constant 0 : i32
    %dma_wait3A_212 = arith.constant 0 : i32
    %dma_wait3A_213 = tpu.memref_slice %arg4[%add3A_58, %dma_wait3A_210, %dma_wait3A_211, %dma_wait3A_212] : memref<1024x4x8x768xf32, #tpu.memory_space<hbm>> -> memref<1x4x8x768xf32, #tpu.memory_space<hbm>>
    %dma_wait3A_214 = tpu.memref_squeeze %dma_wait3A_213 : memref<1x4x8x768xf32, #tpu.memory_space<hbm>> -> memref<4x8x768xf32, #tpu.memory_space<hbm>>
    tpu.wait_dma2 semaphore(%arg7 : memref<!tpu.dma_semaphore, #tpu.memory_space<semaphore_mem>>) src(%arg6 : memref<4x8x768xf32, #tpu.memory_space<vmem>>) dst(%dma_wait3A_214 : memref<4x8x768xf32, #tpu.memory_space<hbm>>)
    %add3A_215 = arith.constant 13 : i32
    %add3A_216 = arith.addi %mul3A_2, %add3A_215 : i32
    %dma_start3A_217 = arith.constant 0 : i32
    %dma_start3A_218 = arith.constant 0 : i32
    %dma_start3A_219 = arith.constant 0 : i32
    %dma_start3A_220 = tpu.memref_slice %arg4[%add3A_216, %dma_start3A_217, %dma_start3A_218, %dma_start3A_219] : memref<1024x4x8x768xf32, #tpu.memory_space<hbm>> -> memref<1x4x8x768xf32, #tpu.memory_space<hbm>>
    %dma_start3A_221 = tpu.memref_squeeze %dma_start3A_220 : memref<1x4x8x768xf32, #tpu.memory_space<hbm>> -> memref<4x8x768xf32, #tpu.memory_space<hbm>>
    %dma_start3A_222 = arith.constant 0 : i32
    %dma_start3A_223 = arith.constant 0 : i32
    %dma_start3A_224 = arith.constant 0 : i32
    %dma_start3A_225 = tpu.memref_slice %arg4[%add3A_216, %dma_start3A_222, %dma_start3A_223, %dma_start3A_224] : memref<1024x4x8x768xf32, #tpu.memory_space<hbm>> -> memref<1x4x8x768xf32, #tpu.memory_space<hbm>>
    %dma_start3A_226 = tpu.memref_squeeze %dma_start3A_225 : memref<1x4x8x768xf32, #tpu.memory_space<hbm>> -> memref<4x8x768xf32, #tpu.memory_space<hbm>>
    tpu.enqueue_dma source(%arg6 : memref<4x8x768xf32, #tpu.memory_space<vmem>>) target(%dma_start3A_226 : memref<4x8x768xf32, #tpu.memory_space<hbm>>) target_semaphore(%arg7 : memref<!tpu.dma_semaphore, #tpu.memory_space<semaphore_mem>>)
    %dma_wait3A_227 = arith.constant 0 : i32
    %dma_wait3A_228 = arith.constant 0 : i32
    %dma_wait3A_229 = arith.constant 0 : i32
    %dma_wait3A_230 = tpu.memref_slice %arg4[%add3A_70, %dma_wait3A_227, %dma_wait3A_228, %dma_wait3A_229] : memref<1024x4x8x768xf32, #tpu.memory_space<hbm>> -> memref<1x4x8x768xf32, #tpu.memory_space<hbm>>
    %dma_wait3A_231 = tpu.memref_squeeze %dma_wait3A_230 : memref<1x4x8x768xf32, #tpu.memory_space<hbm>> -> memref<4x8x768xf32, #tpu.memory_space<hbm>>
    %dma_wait3A_232 = arith.constant 0 : i32
    %dma_wait3A_233 = arith.constant 0 : i32
    %dma_wait3A_234 = arith.constant 0 : i32
    %dma_wait3A_235 = tpu.memref_slice %arg4[%add3A_70, %dma_wait3A_232, %dma_wait3A_233, %dma_wait3A_234] : memref<1024x4x8x768xf32, #tpu.memory_space<hbm>> -> memref<1x4x8x768xf32, #tpu.memory_space<hbm>>
    %dma_wait3A_236 = tpu.memref_squeeze %dma_wait3A_235 : memref<1x4x8x768xf32, #tpu.memory_space<hbm>> -> memref<4x8x768xf32, #tpu.memory_space<hbm>>
    tpu.wait_dma2 semaphore(%arg7 : memref<!tpu.dma_semaphore, #tpu.memory_space<semaphore_mem>>) src(%arg6 : memref<4x8x768xf32, #tpu.memory_space<vmem>>) dst(%dma_wait3A_236 : memref<4x8x768xf32, #tpu.memory_space<hbm>>)
    %add3A_237 = arith.constant 14 : i32
    %add3A_238 = arith.addi %mul3A_2, %add3A_237 : i32
    %dma_start3A_239 = arith.constant 0 : i32
    %dma_start3A_240 = arith.constant 0 : i32
    %dma_start3A_241 = arith.constant 0 : i32
    %dma_start3A_242 = tpu.memref_slice %arg4[%add3A_238, %dma_start3A_239, %dma_start3A_240, %dma_start3A_241] : memref<1024x4x8x768xf32, #tpu.memory_space<hbm>> -> memref<1x4x8x768xf32, #tpu.memory_space<hbm>>
    %dma_start3A_243 = tpu.memref_squeeze %dma_start3A_242 : memref<1x4x8x768xf32, #tpu.memory_space<hbm>> -> memref<4x8x768xf32, #tpu.memory_space<hbm>>
    %dma_start3A_244 = arith.constant 0 : i32
    %dma_start3A_245 = arith.constant 0 : i32
    %dma_start3A_246 = arith.constant 0 : i32
    %dma_start3A_247 = tpu.memref_slice %arg4[%add3A_238, %dma_start3A_244, %dma_start3A_245, %dma_start3A_246] : memref<1024x4x8x768xf32, #tpu.memory_space<hbm>> -> memref<1x4x8x768xf32, #tpu.memory_space<hbm>>
    %dma_start3A_248 = tpu.memref_squeeze %dma_start3A_247 : memref<1x4x8x768xf32, #tpu.memory_space<hbm>> -> memref<4x8x768xf32, #tpu.memory_space<hbm>>
    tpu.enqueue_dma source(%arg6 : memref<4x8x768xf32, #tpu.memory_space<vmem>>) target(%dma_start3A_248 : memref<4x8x768xf32, #tpu.memory_space<hbm>>) target_semaphore(%arg7 : memref<!tpu.dma_semaphore, #tpu.memory_space<semaphore_mem>>)
    %dma_wait3A_249 = arith.constant 0 : i32
    %dma_wait3A_250 = arith.constant 0 : i32
    %dma_wait3A_251 = arith.constant 0 : i32
    %dma_wait3A_252 = tpu.memref_slice %arg4[%add3A_82, %dma_wait3A_249, %dma_wait3A_250, %dma_wait3A_251] : memref<1024x4x8x768xf32, #tpu.memory_space<hbm>> -> memref<1x4x8x768xf32, #tpu.memory_space<hbm>>
    %dma_wait3A_253 = tpu.memref_squeeze %dma_wait3A_252 : memref<1x4x8x768xf32, #tpu.memory_space<hbm>> -> memref<4x8x768xf32, #tpu.memory_space<hbm>>
    %dma_wait3A_254 = arith.constant 0 : i32
    %dma_wait3A_255 = arith.constant 0 : i32
    %dma_wait3A_256 = arith.constant 0 : i32
    %dma_wait3A_257 = tpu.memref_slice %arg4[%add3A_82, %dma_wait3A_254, %dma_wait3A_255, %dma_wait3A_256] : memref<1024x4x8x768xf32, #tpu.memory_space<hbm>> -> memref<1x4x8x768xf32, #tpu.memory_space<hbm>>
    %dma_wait3A_258 = tpu.memref_squeeze %dma_wait3A_257 : memref<1x4x8x768xf32, #tpu.memory_space<hbm>> -> memref<4x8x768xf32, #tpu.memory_space<hbm>>
    tpu.wait_dma2 semaphore(%arg7 : memref<!tpu.dma_semaphore, #tpu.memory_space<semaphore_mem>>) src(%arg6 : memref<4x8x768xf32, #tpu.memory_space<vmem>>) dst(%dma_wait3A_258 : memref<4x8x768xf32, #tpu.memory_space<hbm>>)
    %add3A_259 = arith.constant 15 : i32
    %add3A_260 = arith.addi %mul3A_2, %add3A_259 : i32
    %dma_start3A_261 = arith.constant 0 : i32
    %dma_start3A_262 = arith.constant 0 : i32
    %dma_start3A_263 = arith.constant 0 : i32
    %dma_start3A_264 = tpu.memref_slice %arg4[%add3A_260, %dma_start3A_261, %dma_start3A_262, %dma_start3A_263] : memref<1024x4x8x768xf32, #tpu.memory_space<hbm>> -> memref<1x4x8x768xf32, #tpu.memory_space<hbm>>
    %dma_start3A_265 = tpu.memref_squeeze %dma_start3A_264 : memref<1x4x8x768xf32, #tpu.memory_space<hbm>> -> memref<4x8x768xf32, #tpu.memory_space<hbm>>
    %dma_start3A_266 = arith.constant 0 : i32
    %dma_start3A_267 = arith.constant 0 : i32
    %dma_start3A_268 = arith.constant 0 : i32
    %dma_start3A_269 = tpu.memref_slice %arg4[%add3A_260, %dma_start3A_266, %dma_start3A_267, %dma_start3A_268] : memref<1024x4x8x768xf32, #tpu.memory_space<hbm>> -> memref<1x4x8x768xf32, #tpu.memory_space<hbm>>
    %dma_start3A_270 = tpu.memref_squeeze %dma_start3A_269 : memref<1x4x8x768xf32, #tpu.memory_space<hbm>> -> memref<4x8x768xf32, #tpu.memory_space<hbm>>
    tpu.enqueue_dma source(%arg6 : memref<4x8x768xf32, #tpu.memory_space<vmem>>) target(%dma_start3A_270 : memref<4x8x768xf32, #tpu.memory_space<hbm>>) target_semaphore(%arg7 : memref<!tpu.dma_semaphore, #tpu.memory_space<semaphore_mem>>)
    %dma_wait3A_271 = arith.constant 0 : i32
    %dma_wait3A_272 = arith.constant 0 : i32
    %dma_wait3A_273 = arith.constant 0 : i32
    %dma_wait3A_274 = tpu.memref_slice %arg4[%add3A_94, %dma_wait3A_271, %dma_wait3A_272, %dma_wait3A_273] : memref<1024x4x8x768xf32, #tpu.memory_space<hbm>> -> memref<1x4x8x768xf32, #tpu.memory_space<hbm>>
    %dma_wait3A_275 = tpu.memref_squeeze %dma_wait3A_274 : memref<1x4x8x768xf32, #tpu.memory_space<hbm>> -> memref<4x8x768xf32, #tpu.memory_space<hbm>>
    %dma_wait3A_276 = arith.constant 0 : i32
    %dma_wait3A_277 = arith.constant 0 : i32
    %dma_wait3A_278 = arith.constant 0 : i32
    %dma_wait3A_279 = tpu.memref_slice %arg4[%add3A_94, %dma_wait3A_276, %dma_wait3A_277, %dma_wait3A_278] : memref<1024x4x8x768xf32, #tpu.memory_space<hbm>> -> memref<1x4x8x768xf32, #tpu.memory_space<hbm>>
    %dma_wait3A_280 = tpu.memref_squeeze %dma_wait3A_279 : memref<1x4x8x768xf32, #tpu.memory_space<hbm>> -> memref<4x8x768xf32, #tpu.memory_space<hbm>>
    tpu.wait_dma2 semaphore(%arg7 : memref<!tpu.dma_semaphore, #tpu.memory_space<semaphore_mem>>) src(%arg6 : memref<4x8x768xf32, #tpu.memory_space<vmem>>) dst(%dma_wait3A_280 : memref<4x8x768xf32, #tpu.memory_space<hbm>>)
    %add3A_281 = arith.constant 16 : i32
    %add3A_282 = arith.addi %mul3A_2, %add3A_281 : i32
    %dma_start3A_283 = arith.constant 0 : i32
    %dma_start3A_284 = arith.constant 0 : i32
    %dma_start3A_285 = arith.constant 0 : i32
    %dma_start3A_286 = tpu.memref_slice %arg4[%add3A_282, %dma_start3A_283, %dma_start3A_284, %dma_start3A_285] : memref<1024x4x8x768xf32, #tpu.memory_space<hbm>> -> memref<1x4x8x768xf32, #tpu.memory_space<hbm>>
    %dma_start3A_287 = tpu.memref_squeeze %dma_start3A_286 : memref<1x4x8x768xf32, #tpu.memory_space<hbm>> -> memref<4x8x768xf32, #tpu.memory_space<hbm>>
    %dma_start3A_288 = arith.constant 0 : i32
    %dma_start3A_289 = arith.constant 0 : i32
    %dma_start3A_290 = arith.constant 0 : i32
    %dma_start3A_291 = tpu.memref_slice %arg4[%add3A_282, %dma_start3A_288, %dma_start3A_289, %dma_start3A_290] : memref<1024x4x8x768xf32, #tpu.memory_space<hbm>> -> memref<1x4x8x768xf32, #tpu.memory_space<hbm>>
    %dma_start3A_292 = tpu.memref_squeeze %dma_start3A_291 : memref<1x4x8x768xf32, #tpu.memory_space<hbm>> -> memref<4x8x768xf32, #tpu.memory_space<hbm>>
    tpu.enqueue_dma source(%arg6 : memref<4x8x768xf32, #tpu.memory_space<vmem>>) target(%dma_start3A_292 : memref<4x8x768xf32, #tpu.memory_space<hbm>>) target_semaphore(%arg7 : memref<!tpu.dma_semaphore, #tpu.memory_space<semaphore_mem>>)
    %dma_wait3A_293 = arith.constant 0 : i32
    %dma_wait3A_294 = arith.constant 0 : i32
    %dma_wait3A_295 = arith.constant 0 : i32
    %dma_wait3A_296 = tpu.memref_slice %arg4[%add3A_106, %dma_wait3A_293, %dma_wait3A_294, %dma_wait3A_295] : memref<1024x4x8x768xf32, #tpu.memory_space<hbm>> -> memref<1x4x8x768xf32, #tpu.memory_space<hbm>>
    %dma_wait3A_297 = tpu.memref_squeeze %dma_wait3A_296 : memref<1x4x8x768xf32, #tpu.memory_space<hbm>> -> memref<4x8x768xf32, #tpu.memory_space<hbm>>
    %dma_wait3A_298 = arith.constant 0 : i32
    %dma_wait3A_299 = arith.constant 0 : i32
    %dma_wait3A_300 = arith.constant 0 : i32
    %dma_wait3A_301 = tpu.memref_slice %arg4[%add3A_106, %dma_wait3A_298, %dma_wait3A_299, %dma_wait3A_300] : memref<1024x4x8x768xf32, #tpu.memory_space<hbm>> -> memref<1x4x8x768xf32, #tpu.memory_space<hbm>>
    %dma_wait3A_302 = tpu.memref_squeeze %dma_wait3A_301 : memref<1x4x8x768xf32, #tpu.memory_space<hbm>> -> memref<4x8x768xf32, #tpu.memory_space<hbm>>
    tpu.wait_dma2 semaphore(%arg7 : memref<!tpu.dma_semaphore, #tpu.memory_space<semaphore_mem>>) src(%arg6 : memref<4x8x768xf32, #tpu.memory_space<vmem>>) dst(%dma_wait3A_302 : memref<4x8x768xf32, #tpu.memory_space<hbm>>)
    %add3A_303 = arith.constant 17 : i32
    %add3A_304 = arith.addi %mul3A_2, %add3A_303 : i32
    %dma_start3A_305 = arith.constant 0 : i32
    %dma_start3A_306 = arith.constant 0 : i32
    %dma_start3A_307 = arith.constant 0 : i32
    %dma_start3A_308 = tpu.memref_slice %arg4[%add3A_304, %dma_start3A_305, %dma_start3A_306, %dma_start3A_307] : memref<1024x4x8x768xf32, #tpu.memory_space<hbm>> -> memref<1x4x8x768xf32, #tpu.memory_space<hbm>>
    %dma_start3A_309 = tpu.memref_squeeze %dma_start3A_308 : memref<1x4x8x768xf32, #tpu.memory_space<hbm>> -> memref<4x8x768xf32, #tpu.memory_space<hbm>>
    %dma_start3A_310 = arith.constant 0 : i32
    %dma_start3A_311 = arith.constant 0 : i32
    %dma_start3A_312 = arith.constant 0 : i32
    %dma_start3A_313 = tpu.memref_slice %arg4[%add3A_304, %dma_start3A_310, %dma_start3A_311, %dma_start3A_312] : memref<1024x4x8x768xf32, #tpu.memory_space<hbm>> -> memref<1x4x8x768xf32, #tpu.memory_space<hbm>>
    %dma_start3A_314 = tpu.memref_squeeze %dma_start3A_313 : memref<1x4x8x768xf32, #tpu.memory_space<hbm>> -> memref<4x8x768xf32, #tpu.memory_space<hbm>>
    tpu.enqueue_dma source(%arg6 : memref<4x8x768xf32, #tpu.memory_space<vmem>>) target(%dma_start3A_314 : memref<4x8x768xf32, #tpu.memory_space<hbm>>) target_semaphore(%arg7 : memref<!tpu.dma_semaphore, #tpu.memory_space<semaphore_mem>>)
    %dma_wait3A_315 = arith.constant 0 : i32
    %dma_wait3A_316 = arith.constant 0 : i32
    %dma_wait3A_317 = arith.constant 0 : i32
    %dma_wait3A_318 = tpu.memref_slice %arg4[%add3A_128, %dma_wait3A_315, %dma_wait3A_316, %dma_wait3A_317] : memref<1024x4x8x768xf32, #tpu.memory_space<hbm>> -> memref<1x4x8x768xf32, #tpu.memory_space<hbm>>
    %dma_wait3A_319 = tpu.memref_squeeze %dma_wait3A_318 : memref<1x4x8x768xf32, #tpu.memory_space<hbm>> -> memref<4x8x768xf32, #tpu.memory_space<hbm>>
    %dma_wait3A_320 = arith.constant 0 : i32
    %dma_wait3A_321 = arith.constant 0 : i32
    %dma_wait3A_322 = arith.constant 0 : i32
    %dma_wait3A_323 = tpu.memref_slice %arg4[%add3A_128, %dma_wait3A_320, %dma_wait3A_321, %dma_wait3A_322] : memref<1024x4x8x768xf32, #tpu.memory_space<hbm>> -> memref<1x4x8x768xf32, #tpu.memory_space<hbm>>
    %dma_wait3A_324 = tpu.memref_squeeze %dma_wait3A_323 : memref<1x4x8x768xf32, #tpu.memory_space<hbm>> -> memref<4x8x768xf32, #tpu.memory_space<hbm>>
    tpu.wait_dma2 semaphore(%arg7 : memref<!tpu.dma_semaphore, #tpu.memory_space<semaphore_mem>>) src(%arg6 : memref<4x8x768xf32, #tpu.memory_space<vmem>>) dst(%dma_wait3A_324 : memref<4x8x768xf32, #tpu.memory_space<hbm>>)
    %add3A_325 = arith.constant 18 : i32
    %add3A_326 = arith.addi %mul3A_2, %add3A_325 : i32
    %dma_start3A_327 = arith.constant 0 : i32
    %dma_start3A_328 = arith.constant 0 : i32
    %dma_start3A_329 = arith.constant 0 : i32
    %dma_start3A_330 = tpu.memref_slice %arg4[%add3A_326, %dma_start3A_327, %dma_start3A_328, %dma_start3A_329] : memref<1024x4x8x768xf32, #tpu.memory_space<hbm>> -> memref<1x4x8x768xf32, #tpu.memory_space<hbm>>
    %dma_start3A_331 = tpu.memref_squeeze %dma_start3A_330 : memref<1x4x8x768xf32, #tpu.memory_space<hbm>> -> memref<4x8x768xf32, #tpu.memory_space<hbm>>
    %dma_start3A_332 = arith.constant 0 : i32
    %dma_start3A_333 = arith.constant 0 : i32
    %dma_start3A_334 = arith.constant 0 : i32
    %dma_start3A_335 = tpu.memref_slice %arg4[%add3A_326, %dma_start3A_332, %dma_start3A_333, %dma_start3A_334] : memref<1024x4x8x768xf32, #tpu.memory_space<hbm>> -> memref<1x4x8x768xf32, #tpu.memory_space<hbm>>
    %dma_start3A_336 = tpu.memref_squeeze %dma_start3A_335 : memref<1x4x8x768xf32, #tpu.memory_space<hbm>> -> memref<4x8x768xf32, #tpu.memory_space<hbm>>
    tpu.enqueue_dma source(%arg6 : memref<4x8x768xf32, #tpu.memory_space<vmem>>) target(%dma_start3A_336 : memref<4x8x768xf32, #tpu.memory_space<hbm>>) target_semaphore(%arg7 : memref<!tpu.dma_semaphore, #tpu.memory_space<semaphore_mem>>)
    %dma_wait3A_337 = arith.constant 0 : i32
    %dma_wait3A_338 = arith.constant 0 : i32
    %dma_wait3A_339 = arith.constant 0 : i32
    %dma_wait3A_340 = tpu.memref_slice %arg4[%add3A_150, %dma_wait3A_337, %dma_wait3A_338, %dma_wait3A_339] : memref<1024x4x8x768xf32, #tpu.memory_space<hbm>> -> memref<1x4x8x768xf32, #tpu.memory_space<hbm>>
    %dma_wait3A_341 = tpu.memref_squeeze %dma_wait3A_340 : memref<1x4x8x768xf32, #tpu.memory_space<hbm>> -> memref<4x8x768xf32, #tpu.memory_space<hbm>>
    %dma_wait3A_342 = arith.constant 0 : i32
    %dma_wait3A_343 = arith.constant 0 : i32
    %dma_wait3A_344 = arith.constant 0 : i32
    %dma_wait3A_345 = tpu.memref_slice %arg4[%add3A_150, %dma_wait3A_342, %dma_wait3A_343, %dma_wait3A_344] : memref<1024x4x8x768xf32, #tpu.memory_space<hbm>> -> memref<1x4x8x768xf32, #tpu.memory_space<hbm>>
    %dma_wait3A_346 = tpu.memref_squeeze %dma_wait3A_345 : memref<1x4x8x768xf32, #tpu.memory_space<hbm>> -> memref<4x8x768xf32, #tpu.memory_space<hbm>>
    tpu.wait_dma2 semaphore(%arg7 : memref<!tpu.dma_semaphore, #tpu.memory_space<semaphore_mem>>) src(%arg6 : memref<4x8x768xf32, #tpu.memory_space<vmem>>) dst(%dma_wait3A_346 : memref<4x8x768xf32, #tpu.memory_space<hbm>>)
    %add3A_347 = arith.constant 19 : i32
    %add3A_348 = arith.addi %mul3A_2, %add3A_347 : i32
    %dma_start3A_349 = arith.constant 0 : i32
    %dma_start3A_350 = arith.constant 0 : i32
    %dma_start3A_351 = arith.constant 0 : i32
    %dma_start3A_352 = tpu.memref_slice %arg4[%add3A_348, %dma_start3A_349, %dma_start3A_350, %dma_start3A_351] : memref<1024x4x8x768xf32, #tpu.memory_space<hbm>> -> memref<1x4x8x768xf32, #tpu.memory_space<hbm>>
    %dma_start3A_353 = tpu.memref_squeeze %dma_start3A_352 : memref<1x4x8x768xf32, #tpu.memory_space<hbm>> -> memref<4x8x768xf32, #tpu.memory_space<hbm>>
    %dma_start3A_354 = arith.constant 0 : i32
    %dma_start3A_355 = arith.constant 0 : i32
    %dma_start3A_356 = arith.constant 0 : i32
    %dma_start3A_357 = tpu.memref_slice %arg4[%add3A_348, %dma_start3A_354, %dma_start3A_355, %dma_start3A_356] : memref<1024x4x8x768xf32, #tpu.memory_space<hbm>> -> memref<1x4x8x768xf32, #tpu.memory_space<hbm>>
    %dma_start3A_358 = tpu.memref_squeeze %dma_start3A_357 : memref<1x4x8x768xf32, #tpu.memory_space<hbm>> -> memref<4x8x768xf32, #tpu.memory_space<hbm>>
    tpu.enqueue_dma source(%arg6 : memref<4x8x768xf32, #tpu.memory_space<vmem>>) target(%dma_start3A_358 : memref<4x8x768xf32, #tpu.memory_space<hbm>>) target_semaphore(%arg7 : memref<!tpu.dma_semaphore, #tpu.memory_space<semaphore_mem>>)
    %dma_wait3A_359 = arith.constant 0 : i32
    %dma_wait3A_360 = arith.constant 0 : i32
    %dma_wait3A_361 = arith.constant 0 : i32
    %dma_wait3A_362 = tpu.memref_slice %arg4[%add3A_172, %dma_wait3A_359, %dma_wait3A_360, %dma_wait3A_361] : memref<1024x4x8x768xf32, #tpu.memory_space<hbm>> -> memref<1x4x8x768xf32, #tpu.memory_space<hbm>>
    %dma_wait3A_363 = tpu.memref_squeeze %dma_wait3A_362 : memref<1x4x8x768xf32, #tpu.memory_space<hbm>> -> memref<4x8x768xf32, #tpu.memory_space<hbm>>
    %dma_wait3A_364 = arith.constant 0 : i32
    %dma_wait3A_365 = arith.constant 0 : i32
    %dma_wait3A_366 = arith.constant 0 : i32
    %dma_wait3A_367 = tpu.memref_slice %arg4[%add3A_172, %dma_wait3A_364, %dma_wait3A_365, %dma_wait3A_366] : memref<1024x4x8x768xf32, #tpu.memory_space<hbm>> -> memref<1x4x8x768xf32, #tpu.memory_space<hbm>>
    %dma_wait3A_368 = tpu.memref_squeeze %dma_wait3A_367 : memref<1x4x8x768xf32, #tpu.memory_space<hbm>> -> memref<4x8x768xf32, #tpu.memory_space<hbm>>
    tpu.wait_dma2 semaphore(%arg7 : memref<!tpu.dma_semaphore, #tpu.memory_space<semaphore_mem>>) src(%arg6 : memref<4x8x768xf32, #tpu.memory_space<vmem>>) dst(%dma_wait3A_368 : memref<4x8x768xf32, #tpu.memory_space<hbm>>)
    %add3A_369 = arith.constant 20 : i32
    %add3A_370 = arith.addi %mul3A_2, %add3A_369 : i32
    %dma_start3A_371 = arith.constant 0 : i32
    %dma_start3A_372 = arith.constant 0 : i32
    %dma_start3A_373 = arith.constant 0 : i32
    %dma_start3A_374 = tpu.memref_slice %arg4[%add3A_370, %dma_start3A_371, %dma_start3A_372, %dma_start3A_373] : memref<1024x4x8x768xf32, #tpu.memory_space<hbm>> -> memref<1x4x8x768xf32, #tpu.memory_space<hbm>>
    %dma_start3A_375 = tpu.memref_squeeze %dma_start3A_374 : memref<1x4x8x768xf32, #tpu.memory_space<hbm>> -> memref<4x8x768xf32, #tpu.memory_space<hbm>>
    %dma_start3A_376 = arith.constant 0 : i32
    %dma_start3A_377 = arith.constant 0 : i32
    %dma_start3A_378 = arith.constant 0 : i32
    %dma_start3A_379 = tpu.memref_slice %arg4[%add3A_370, %dma_start3A_376, %dma_start3A_377, %dma_start3A_378] : memref<1024x4x8x768xf32, #tpu.memory_space<hbm>> -> memref<1x4x8x768xf32, #tpu.memory_space<hbm>>
    %dma_start3A_380 = tpu.memref_squeeze %dma_start3A_379 : memref<1x4x8x768xf32, #tpu.memory_space<hbm>> -> memref<4x8x768xf32, #tpu.memory_space<hbm>>
    tpu.enqueue_dma source(%arg6 : memref<4x8x768xf32, #tpu.memory_space<vmem>>) target(%dma_start3A_380 : memref<4x8x768xf32, #tpu.memory_space<hbm>>) target_semaphore(%arg7 : memref<!tpu.dma_semaphore, #tpu.memory_space<semaphore_mem>>)
    %dma_wait3A_381 = arith.constant 0 : i32
    %dma_wait3A_382 = arith.constant 0 : i32
    %dma_wait3A_383 = arith.constant 0 : i32
    %dma_wait3A_384 = tpu.memref_slice %arg4[%add3A_194, %dma_wait3A_381, %dma_wait3A_382, %dma_wait3A_383] : memref<1024x4x8x768xf32, #tpu.memory_space<hbm>> -> memref<1x4x8x768xf32, #tpu.memory_space<hbm>>
    %dma_wait3A_385 = tpu.memref_squeeze %dma_wait3A_384 : memref<1x4x8x768xf32, #tpu.memory_space<hbm>> -> memref<4x8x768xf32, #tpu.memory_space<hbm>>
    %dma_wait3A_386 = arith.constant 0 : i32
    %dma_wait3A_387 = arith.constant 0 : i32
    %dma_wait3A_388 = arith.constant 0 : i32
    %dma_wait3A_389 = tpu.memref_slice %arg4[%add3A_194, %dma_wait3A_386, %dma_wait3A_387, %dma_wait3A_388] : memref<1024x4x8x768xf32, #tpu.memory_space<hbm>> -> memref<1x4x8x768xf32, #tpu.memory_space<hbm>>
    %dma_wait3A_390 = tpu.memref_squeeze %dma_wait3A_389 : memref<1x4x8x768xf32, #tpu.memory_space<hbm>> -> memref<4x8x768xf32, #tpu.memory_space<hbm>>
    tpu.wait_dma2 semaphore(%arg7 : memref<!tpu.dma_semaphore, #tpu.memory_space<semaphore_mem>>) src(%arg6 : memref<4x8x768xf32, #tpu.memory_space<vmem>>) dst(%dma_wait3A_390 : memref<4x8x768xf32, #tpu.memory_space<hbm>>)
    %add3A_391 = arith.constant 21 : i32
    %add3A_392 = arith.addi %mul3A_2, %add3A_391 : i32
    %dma_start3A_393 = arith.constant 0 : i32
    %dma_start3A_394 = arith.constant 0 : i32
    %dma_start3A_395 = arith.constant 0 : i32
    %dma_start3A_396 = tpu.memref_slice %arg4[%add3A_392, %dma_start3A_393, %dma_start3A_394, %dma_start3A_395] : memref<1024x4x8x768xf32, #tpu.memory_space<hbm>> -> memref<1x4x8x768xf32, #tpu.memory_space<hbm>>
    %dma_start3A_397 = tpu.memref_squeeze %dma_start3A_396 : memref<1x4x8x768xf32, #tpu.memory_space<hbm>> -> memref<4x8x768xf32, #tpu.memory_space<hbm>>
    %dma_start3A_398 = arith.constant 0 : i32
    %dma_start3A_399 = arith.constant 0 : i32
    %dma_start3A_400 = arith.constant 0 : i32
    %dma_start3A_401 = tpu.memref_slice %arg4[%add3A_392, %dma_start3A_398, %dma_start3A_399, %dma_start3A_400] : memref<1024x4x8x768xf32, #tpu.memory_space<hbm>> -> memref<1x4x8x768xf32, #tpu.memory_space<hbm>>
    %dma_start3A_402 = tpu.memref_squeeze %dma_start3A_401 : memref<1x4x8x768xf32, #tpu.memory_space<hbm>> -> memref<4x8x768xf32, #tpu.memory_space<hbm>>
    tpu.enqueue_dma source(%arg6 : memref<4x8x768xf32, #tpu.memory_space<vmem>>) target(%dma_start3A_402 : memref<4x8x768xf32, #tpu.memory_space<hbm>>) target_semaphore(%arg7 : memref<!tpu.dma_semaphore, #tpu.memory_space<semaphore_mem>>)
    %dma_wait3A_403 = arith.constant 0 : i32
    %dma_wait3A_404 = arith.constant 0 : i32
    %dma_wait3A_405 = arith.constant 0 : i32
    %dma_wait3A_406 = tpu.memref_slice %arg4[%add3A_216, %dma_wait3A_403, %dma_wait3A_404, %dma_wait3A_405] : memref<1024x4x8x768xf32, #tpu.memory_space<hbm>> -> memref<1x4x8x768xf32, #tpu.memory_space<hbm>>
    %dma_wait3A_407 = tpu.memref_squeeze %dma_wait3A_406 : memref<1x4x8x768xf32, #tpu.memory_space<hbm>> -> memref<4x8x768xf32, #tpu.memory_space<hbm>>
    %dma_wait3A_408 = arith.constant 0 : i32
    %dma_wait3A_409 = arith.constant 0 : i32
    %dma_wait3A_410 = arith.constant 0 : i32
    %dma_wait3A_411 = tpu.memref_slice %arg4[%add3A_216, %dma_wait3A_408, %dma_wait3A_409, %dma_wait3A_410] : memref<1024x4x8x768xf32, #tpu.memory_space<hbm>> -> memref<1x4x8x768xf32, #tpu.memory_space<hbm>>
    %dma_wait3A_412 = tpu.memref_squeeze %dma_wait3A_411 : memref<1x4x8x768xf32, #tpu.memory_space<hbm>> -> memref<4x8x768xf32, #tpu.memory_space<hbm>>
    tpu.wait_dma2 semaphore(%arg7 : memref<!tpu.dma_semaphore, #tpu.memory_space<semaphore_mem>>) src(%arg6 : memref<4x8x768xf32, #tpu.memory_space<vmem>>) dst(%dma_wait3A_412 : memref<4x8x768xf32, #tpu.memory_space<hbm>>)
    %add3A_413 = arith.constant 22 : i32
    %add3A_414 = arith.addi %mul3A_2, %add3A_413 : i32
    %dma_start3A_415 = arith.constant 0 : i32
    %dma_start3A_416 = arith.constant 0 : i32
    %dma_start3A_417 = arith.constant 0 : i32
    %dma_start3A_418 = tpu.memref_slice %arg4[%add3A_414, %dma_start3A_415, %dma_start3A_416, %dma_start3A_417] : memref<1024x4x8x768xf32, #tpu.memory_space<hbm>> -> memref<1x4x8x768xf32, #tpu.memory_space<hbm>>
    %dma_start3A_419 = tpu.memref_squeeze %dma_start3A_418 : memref<1x4x8x768xf32, #tpu.memory_space<hbm>> -> memref<4x8x768xf32, #tpu.memory_space<hbm>>
    %dma_start3A_420 = arith.constant 0 : i32
    %dma_start3A_421 = arith.constant 0 : i32
    %dma_start3A_422 = arith.constant 0 : i32
    %dma_start3A_423 = tpu.memref_slice %arg4[%add3A_414, %dma_start3A_420, %dma_start3A_421, %dma_start3A_422] : memref<1024x4x8x768xf32, #tpu.memory_space<hbm>> -> memref<1x4x8x768xf32, #tpu.memory_space<hbm>>
    %dma_start3A_424 = tpu.memref_squeeze %dma_start3A_423 : memref<1x4x8x768xf32, #tpu.memory_space<hbm>> -> memref<4x8x768xf32, #tpu.memory_space<hbm>>
    tpu.enqueue_dma source(%arg6 : memref<4x8x768xf32, #tpu.memory_space<vmem>>) target(%dma_start3A_424 : memref<4x8x768xf32, #tpu.memory_space<hbm>>) target_semaphore(%arg7 : memref<!tpu.dma_semaphore, #tpu.memory_space<semaphore_mem>>)
    %dma_wait3A_425 = arith.constant 0 : i32
    %dma_wait3A_426 = arith.constant 0 : i32
    %dma_wait3A_427 = arith.constant 0 : i32
    %dma_wait3A_428 = tpu.memref_slice %arg4[%add3A_238, %dma_wait3A_425, %dma_wait3A_426, %dma_wait3A_427] : memref<1024x4x8x768xf32, #tpu.memory_space<hbm>> -> memref<1x4x8x768xf32, #tpu.memory_space<hbm>>
    %dma_wait3A_429 = tpu.memref_squeeze %dma_wait3A_428 : memref<1x4x8x768xf32, #tpu.memory_space<hbm>> -> memref<4x8x768xf32, #tpu.memory_space<hbm>>
    %dma_wait3A_430 = arith.constant 0 : i32
    %dma_wait3A_431 = arith.constant 0 : i32
    %dma_wait3A_432 = arith.constant 0 : i32
    %dma_wait3A_433 = tpu.memref_slice %arg4[%add3A_238, %dma_wait3A_430, %dma_wait3A_431, %dma_wait3A_432] : memref<1024x4x8x768xf32, #tpu.memory_space<hbm>> -> memref<1x4x8x768xf32, #tpu.memory_space<hbm>>
    %dma_wait3A_434 = tpu.memref_squeeze %dma_wait3A_433 : memref<1x4x8x768xf32, #tpu.memory_space<hbm>> -> memref<4x8x768xf32, #tpu.memory_space<hbm>>
    tpu.wait_dma2 semaphore(%arg7 : memref<!tpu.dma_semaphore, #tpu.memory_space<semaphore_mem>>) src(%arg6 : memref<4x8x768xf32, #tpu.memory_space<vmem>>) dst(%dma_wait3A_434 : memref<4x8x768xf32, #tpu.memory_space<hbm>>)
    %add3A_435 = arith.constant 23 : i32
    %add3A_436 = arith.addi %mul3A_2, %add3A_435 : i32
    %dma_start3A_437 = arith.constant 0 : i32
    %dma_start3A_438 = arith.constant 0 : i32
    %dma_start3A_439 = arith.constant 0 : i32
    %dma_start3A_440 = tpu.memref_slice %arg4[%add3A_436, %dma_start3A_437, %dma_start3A_438, %dma_start3A_439] : memref<1024x4x8x768xf32, #tpu.memory_space<hbm>> -> memref<1x4x8x768xf32, #tpu.memory_space<hbm>>
    %dma_start3A_441 = tpu.memref_squeeze %dma_start3A_440 : memref<1x4x8x768xf32, #tpu.memory_space<hbm>> -> memref<4x8x768xf32, #tpu.memory_space<hbm>>
    %dma_start3A_442 = arith.constant 0 : i32
    %dma_start3A_443 = arith.constant 0 : i32
    %dma_start3A_444 = arith.constant 0 : i32
    %dma_start3A_445 = tpu.memref_slice %arg4[%add3A_436, %dma_start3A_442, %dma_start3A_443, %dma_start3A_444] : memref<1024x4x8x768xf32, #tpu.memory_space<hbm>> -> memref<1x4x8x768xf32, #tpu.memory_space<hbm>>
    %dma_start3A_446 = tpu.memref_squeeze %dma_start3A_445 : memref<1x4x8x768xf32, #tpu.memory_space<hbm>> -> memref<4x8x768xf32, #tpu.memory_space<hbm>>
    tpu.enqueue_dma source(%arg6 : memref<4x8x768xf32, #tpu.memory_space<vmem>>) target(%dma_start3A_446 : memref<4x8x768xf32, #tpu.memory_space<hbm>>) target_semaphore(%arg7 : memref<!tpu.dma_semaphore, #tpu.memory_space<semaphore_mem>>)
    %dma_wait3A_447 = arith.constant 0 : i32
    %dma_wait3A_448 = arith.constant 0 : i32
    %dma_wait3A_449 = arith.constant 0 : i32
    %dma_wait3A_450 = tpu.memref_slice %arg4[%add3A_260, %dma_wait3A_447, %dma_wait3A_448, %dma_wait3A_449] : memref<1024x4x8x768xf32, #tpu.memory_space<hbm>> -> memref<1x4x8x768xf32, #tpu.memory_space<hbm>>
    %dma_wait3A_451 = tpu.memref_squeeze %dma_wait3A_450 : memref<1x4x8x768xf32, #tpu.memory_space<hbm>> -> memref<4x8x768xf32, #tpu.memory_space<hbm>>
    %dma_wait3A_452 = arith.constant 0 : i32
    %dma_wait3A_453 = arith.constant 0 : i32
    %dma_wait3A_454 = arith.constant 0 : i32
    %dma_wait3A_455 = tpu.memref_slice %arg4[%add3A_260, %dma_wait3A_452, %dma_wait3A_453, %dma_wait3A_454] : memref<1024x4x8x768xf32, #tpu.memory_space<hbm>> -> memref<1x4x8x768xf32, #tpu.memory_space<hbm>>
    %dma_wait3A_456 = tpu.memref_squeeze %dma_wait3A_455 : memref<1x4x8x768xf32, #tpu.memory_space<hbm>> -> memref<4x8x768xf32, #tpu.memory_space<hbm>>
    tpu.wait_dma2 semaphore(%arg7 : memref<!tpu.dma_semaphore, #tpu.memory_space<semaphore_mem>>) src(%arg6 : memref<4x8x768xf32, #tpu.memory_space<vmem>>) dst(%dma_wait3A_456 : memref<4x8x768xf32, #tpu.memory_space<hbm>>)
    %add3A_457 = arith.constant 24 : i32
    %add3A_458 = arith.addi %mul3A_2, %add3A_457 : i32
    %dma_start3A_459 = arith.constant 0 : i32
    %dma_start3A_460 = arith.constant 0 : i32
    %dma_start3A_461 = arith.constant 0 : i32
    %dma_start3A_462 = tpu.memref_slice %arg4[%add3A_458, %dma_start3A_459, %dma_start3A_460, %dma_start3A_461] : memref<1024x4x8x768xf32, #tpu.memory_space<hbm>> -> memref<1x4x8x768xf32, #tpu.memory_space<hbm>>
    %dma_start3A_463 = tpu.memref_squeeze %dma_start3A_462 : memref<1x4x8x768xf32, #tpu.memory_space<hbm>> -> memref<4x8x768xf32, #tpu.memory_space<hbm>>
    %dma_start3A_464 = arith.constant 0 : i32
    %dma_start3A_465 = arith.constant 0 : i32
    %dma_start3A_466 = arith.constant 0 : i32
    %dma_start3A_467 = tpu.memref_slice %arg4[%add3A_458, %dma_start3A_464, %dma_start3A_465, %dma_start3A_466] : memref<1024x4x8x768xf32, #tpu.memory_space<hbm>> -> memref<1x4x8x768xf32, #tpu.memory_space<hbm>>
    %dma_start3A_468 = tpu.memref_squeeze %dma_start3A_467 : memref<1x4x8x768xf32, #tpu.memory_space<hbm>> -> memref<4x8x768xf32, #tpu.memory_space<hbm>>
    tpu.enqueue_dma source(%arg6 : memref<4x8x768xf32, #tpu.memory_space<vmem>>) target(%dma_start3A_468 : memref<4x8x768xf32, #tpu.memory_space<hbm>>) target_semaphore(%arg7 : memref<!tpu.dma_semaphore, #tpu.memory_space<semaphore_mem>>)
    %dma_wait3A_469 = arith.constant 0 : i32
    %dma_wait3A_470 = arith.constant 0 : i32
    %dma_wait3A_471 = arith.constant 0 : i32
    %dma_wait3A_472 = tpu.memref_slice %arg4[%add3A_282, %dma_wait3A_469, %dma_wait3A_470, %dma_wait3A_471] : memref<1024x4x8x768xf32, #tpu.memory_space<hbm>> -> memref<1x4x8x768xf32, #tpu.memory_space<hbm>>
    %dma_wait3A_473 = tpu.memref_squeeze %dma_wait3A_472 : memref<1x4x8x768xf32, #tpu.memory_space<hbm>> -> memref<4x8x768xf32, #tpu.memory_space<hbm>>
    %dma_wait3A_474 = arith.constant 0 : i32
    %dma_wait3A_475 = arith.constant 0 : i32
    %dma_wait3A_476 = arith.constant 0 : i32
    %dma_wait3A_477 = tpu.memref_slice %arg4[%add3A_282, %dma_wait3A_474, %dma_wait3A_475, %dma_wait3A_476] : memref<1024x4x8x768xf32, #tpu.memory_space<hbm>> -> memref<1x4x8x768xf32, #tpu.memory_space<hbm>>
    %dma_wait3A_478 = tpu.memref_squeeze %dma_wait3A_477 : memref<1x4x8x768xf32, #tpu.memory_space<hbm>> -> memref<4x8x768xf32, #tpu.memory_space<hbm>>
    tpu.wait_dma2 semaphore(%arg7 : memref<!tpu.dma_semaphore, #tpu.memory_space<semaphore_mem>>) src(%arg6 : memref<4x8x768xf32, #tpu.memory_space<vmem>>) dst(%dma_wait3A_478 : memref<4x8x768xf32, #tpu.memory_space<hbm>>)
    %add3A_479 = arith.constant 25 : i32
    %add3A_480 = arith.addi %mul3A_2, %add3A_479 : i32
    %dma_start3A_481 = arith.constant 0 : i32
    %dma_start3A_482 = arith.constant 0 : i32
    %dma_start3A_483 = arith.constant 0 : i32
    %dma_start3A_484 = tpu.memref_slice %arg4[%add3A_480, %dma_start3A_481, %dma_start3A_482, %dma_start3A_483] : memref<1024x4x8x768xf32, #tpu.memory_space<hbm>> -> memref<1x4x8x768xf32, #tpu.memory_space<hbm>>
    %dma_start3A_485 = tpu.memref_squeeze %dma_start3A_484 : memref<1x4x8x768xf32, #tpu.memory_space<hbm>> -> memref<4x8x768xf32, #tpu.memory_space<hbm>>
    %dma_start3A_486 = arith.constant 0 : i32
    %dma_start3A_487 = arith.constant 0 : i32
    %dma_start3A_488 = arith.constant 0 : i32
    %dma_start3A_489 = tpu.memref_slice %arg4[%add3A_480, %dma_start3A_486, %dma_start3A_487, %dma_start3A_488] : memref<1024x4x8x768xf32, #tpu.memory_space<hbm>> -> memref<1x4x8x768xf32, #tpu.memory_space<hbm>>
    %dma_start3A_490 = tpu.memref_squeeze %dma_start3A_489 : memref<1x4x8x768xf32, #tpu.memory_space<hbm>> -> memref<4x8x768xf32, #tpu.memory_space<hbm>>
    tpu.enqueue_dma source(%arg6 : memref<4x8x768xf32, #tpu.memory_space<vmem>>) target(%dma_start3A_490 : memref<4x8x768xf32, #tpu.memory_space<hbm>>) target_semaphore(%arg7 : memref<!tpu.dma_semaphore, #tpu.memory_space<semaphore_mem>>)
    %dma_wait3A_491 = arith.constant 0 : i32
    %dma_wait3A_492 = arith.constant 0 : i32
    %dma_wait3A_493 = arith.constant 0 : i32
    %dma_wait3A_494 = tpu.memref_slice %arg4[%add3A_304, %dma_wait3A_491, %dma_wait3A_492, %dma_wait3A_493] : memref<1024x4x8x768xf32, #tpu.memory_space<hbm>> -> memref<1x4x8x768xf32, #tpu.memory_space<hbm>>
    %dma_wait3A_495 = tpu.memref_squeeze %dma_wait3A_494 : memref<1x4x8x768xf32, #tpu.memory_space<hbm>> -> memref<4x8x768xf32, #tpu.memory_space<hbm>>
    %dma_wait3A_496 = arith.constant 0 : i32
    %dma_wait3A_497 = arith.constant 0 : i32
    %dma_wait3A_498 = arith.constant 0 : i32
    %dma_wait3A_499 = tpu.memref_slice %arg4[%add3A_304, %dma_wait3A_496, %dma_wait3A_497, %dma_wait3A_498] : memref<1024x4x8x768xf32, #tpu.memory_space<hbm>> -> memref<1x4x8x768xf32, #tpu.memory_space<hbm>>
    %dma_wait3A_500 = tpu.memref_squeeze %dma_wait3A_499 : memref<1x4x8x768xf32, #tpu.memory_space<hbm>> -> memref<4x8x768xf32, #tpu.memory_space<hbm>>
    tpu.wait_dma2 semaphore(%arg7 : memref<!tpu.dma_semaphore, #tpu.memory_space<semaphore_mem>>) src(%arg6 : memref<4x8x768xf32, #tpu.memory_space<vmem>>) dst(%dma_wait3A_500 : memref<4x8x768xf32, #tpu.memory_space<hbm>>)
    %add3A_501 = arith.constant 26 : i32
    %add3A_502 = arith.addi %mul3A_2, %add3A_501 : i32
    %dma_start3A_503 = arith.constant 0 : i32
    %dma_start3A_504 = arith.constant 0 : i32
    %dma_start3A_505 = arith.constant 0 : i32
    %dma_start3A_506 = tpu.memref_slice %arg4[%add3A_502, %dma_start3A_503, %dma_start3A_504, %dma_start3A_505] : memref<1024x4x8x768xf32, #tpu.memory_space<hbm>> -> memref<1x4x8x768xf32, #tpu.memory_space<hbm>>
    %dma_start3A_507 = tpu.memref_squeeze %dma_start3A_506 : memref<1x4x8x768xf32, #tpu.memory_space<hbm>> -> memref<4x8x768xf32, #tpu.memory_space<hbm>>
    %dma_start3A_508 = arith.constant 0 : i32
    %dma_start3A_509 = arith.constant 0 : i32
    %dma_start3A_510 = arith.constant 0 : i32
    %dma_start3A_511 = tpu.memref_slice %arg4[%add3A_502, %dma_start3A_508, %dma_start3A_509, %dma_start3A_510] : memref<1024x4x8x768xf32, #tpu.memory_space<hbm>> -> memref<1x4x8x768xf32, #tpu.memory_space<hbm>>
    %dma_start3A_512 = tpu.memref_squeeze %dma_start3A_511 : memref<1x4x8x768xf32, #tpu.memory_space<hbm>> -> memref<4x8x768xf32, #tpu.memory_space<hbm>>
    tpu.enqueue_dma source(%arg6 : memref<4x8x768xf32, #tpu.memory_space<vmem>>) target(%dma_start3A_512 : memref<4x8x768xf32, #tpu.memory_space<hbm>>) target_semaphore(%arg7 : memref<!tpu.dma_semaphore, #tpu.memory_space<semaphore_mem>>)
    %dma_wait3A_513 = arith.constant 0 : i32
    %dma_wait3A_514 = arith.constant 0 : i32
    %dma_wait3A_515 = arith.constant 0 : i32
    %dma_wait3A_516 = tpu.memref_slice %arg4[%add3A_326, %dma_wait3A_513, %dma_wait3A_514, %dma_wait3A_515] : memref<1024x4x8x768xf32, #tpu.memory_space<hbm>> -> memref<1x4x8x768xf32, #tpu.memory_space<hbm>>
    %dma_wait3A_517 = tpu.memref_squeeze %dma_wait3A_516 : memref<1x4x8x768xf32, #tpu.memory_space<hbm>> -> memref<4x8x768xf32, #tpu.memory_space<hbm>>
    %dma_wait3A_518 = arith.constant 0 : i32
    %dma_wait3A_519 = arith.constant 0 : i32
    %dma_wait3A_520 = arith.constant 0 : i32
    %dma_wait3A_521 = tpu.memref_slice %arg4[%add3A_326, %dma_wait3A_518, %dma_wait3A_519, %dma_wait3A_520] : memref<1024x4x8x768xf32, #tpu.memory_space<hbm>> -> memref<1x4x8x768xf32, #tpu.memory_space<hbm>>
    %dma_wait3A_522 = tpu.memref_squeeze %dma_wait3A_521 : memref<1x4x8x768xf32, #tpu.memory_space<hbm>> -> memref<4x8x768xf32, #tpu.memory_space<hbm>>
    tpu.wait_dma2 semaphore(%arg7 : memref<!tpu.dma_semaphore, #tpu.memory_space<semaphore_mem>>) src(%arg6 : memref<4x8x768xf32, #tpu.memory_space<vmem>>) dst(%dma_wait3A_522 : memref<4x8x768xf32, #tpu.memory_space<hbm>>)
    %add3A_523 = arith.constant 27 : i32
    %add3A_524 = arith.addi %mul3A_2, %add3A_523 : i32
    %dma_start3A_525 = arith.constant 0 : i32
    %dma_start3A_526 = arith.constant 0 : i32
    %dma_start3A_527 = arith.constant 0 : i32
    %dma_start3A_528 = tpu.memref_slice %arg4[%add3A_524, %dma_start3A_525, %dma_start3A_526, %dma_start3A_527] : memref<1024x4x8x768xf32, #tpu.memory_space<hbm>> -> memref<1x4x8x768xf32, #tpu.memory_space<hbm>>
    %dma_start3A_529 = tpu.memref_squeeze %dma_start3A_528 : memref<1x4x8x768xf32, #tpu.memory_space<hbm>> -> memref<4x8x768xf32, #tpu.memory_space<hbm>>
    %dma_start3A_530 = arith.constant 0 : i32
    %dma_start3A_531 = arith.constant 0 : i32
    %dma_start3A_532 = arith.constant 0 : i32
    %dma_start3A_533 = tpu.memref_slice %arg4[%add3A_524, %dma_start3A_530, %dma_start3A_531, %dma_start3A_532] : memref<1024x4x8x768xf32, #tpu.memory_space<hbm>> -> memref<1x4x8x768xf32, #tpu.memory_space<hbm>>
    %dma_start3A_534 = tpu.memref_squeeze %dma_start3A_533 : memref<1x4x8x768xf32, #tpu.memory_space<hbm>> -> memref<4x8x768xf32, #tpu.memory_space<hbm>>
    tpu.enqueue_dma source(%arg6 : memref<4x8x768xf32, #tpu.memory_space<vmem>>) target(%dma_start3A_534 : memref<4x8x768xf32, #tpu.memory_space<hbm>>) target_semaphore(%arg7 : memref<!tpu.dma_semaphore, #tpu.memory_space<semaphore_mem>>)
    %dma_wait3A_535 = arith.constant 0 : i32
    %dma_wait3A_536 = arith.constant 0 : i32
    %dma_wait3A_537 = arith.constant 0 : i32
    %dma_wait3A_538 = tpu.memref_slice %arg4[%add3A_348, %dma_wait3A_535, %dma_wait3A_536, %dma_wait3A_537] : memref<1024x4x8x768xf32, #tpu.memory_space<hbm>> -> memref<1x4x8x768xf32, #tpu.memory_space<hbm>>
    %dma_wait3A_539 = tpu.memref_squeeze %dma_wait3A_538 : memref<1x4x8x768xf32, #tpu.memory_space<hbm>> -> memref<4x8x768xf32, #tpu.memory_space<hbm>>
    %dma_wait3A_540 = arith.constant 0 : i32
    %dma_wait3A_541 = arith.constant 0 : i32
    %dma_wait3A_542 = arith.constant 0 : i32
    %dma_wait3A_543 = tpu.memref_slice %arg4[%add3A_348, %dma_wait3A_540, %dma_wait3A_541, %dma_wait3A_542] : memref<1024x4x8x768xf32, #tpu.memory_space<hbm>> -> memref<1x4x8x768xf32, #tpu.memory_space<hbm>>
    %dma_wait3A_544 = tpu.memref_squeeze %dma_wait3A_543 : memref<1x4x8x768xf32, #tpu.memory_space<hbm>> -> memref<4x8x768xf32, #tpu.memory_space<hbm>>
    tpu.wait_dma2 semaphore(%arg7 : memref<!tpu.dma_semaphore, #tpu.memory_space<semaphore_mem>>) src(%arg6 : memref<4x8x768xf32, #tpu.memory_space<vmem>>) dst(%dma_wait3A_544 : memref<4x8x768xf32, #tpu.memory_space<hbm>>)
    %add3A_545 = arith.constant 28 : i32
    %add3A_546 = arith.addi %mul3A_2, %add3A_545 : i32
    %dma_start3A_547 = arith.constant 0 : i32
    %dma_start3A_548 = arith.constant 0 : i32
    %dma_start3A_549 = arith.constant 0 : i32
    %dma_start3A_550 = tpu.memref_slice %arg4[%add3A_546, %dma_start3A_547, %dma_start3A_548, %dma_start3A_549] : memref<1024x4x8x768xf32, #tpu.memory_space<hbm>> -> memref<1x4x8x768xf32, #tpu.memory_space<hbm>>
    %dma_start3A_551 = tpu.memref_squeeze %dma_start3A_550 : memref<1x4x8x768xf32, #tpu.memory_space<hbm>> -> memref<4x8x768xf32, #tpu.memory_space<hbm>>
    %dma_start3A_552 = arith.constant 0 : i32
    %dma_start3A_553 = arith.constant 0 : i32
    %dma_start3A_554 = arith.constant 0 : i32
    %dma_start3A_555 = tpu.memref_slice %arg4[%add3A_546, %dma_start3A_552, %dma_start3A_553, %dma_start3A_554] : memref<1024x4x8x768xf32, #tpu.memory_space<hbm>> -> memref<1x4x8x768xf32, #tpu.memory_space<hbm>>
    %dma_start3A_556 = tpu.memref_squeeze %dma_start3A_555 : memref<1x4x8x768xf32, #tpu.memory_space<hbm>> -> memref<4x8x768xf32, #tpu.memory_space<hbm>>
    tpu.enqueue_dma source(%arg6 : memref<4x8x768xf32, #tpu.memory_space<vmem>>) target(%dma_start3A_556 : memref<4x8x768xf32, #tpu.memory_space<hbm>>) target_semaphore(%arg7 : memref<!tpu.dma_semaphore, #tpu.memory_space<semaphore_mem>>)
    %dma_wait3A_557 = arith.constant 0 : i32
    %dma_wait3A_558 = arith.constant 0 : i32
    %dma_wait3A_559 = arith.constant 0 : i32
    %dma_wait3A_560 = tpu.memref_slice %arg4[%add3A_370, %dma_wait3A_557, %dma_wait3A_558, %dma_wait3A_559] : memref<1024x4x8x768xf32, #tpu.memory_space<hbm>> -> memref<1x4x8x768xf32, #tpu.memory_space<hbm>>
    %dma_wait3A_561 = tpu.memref_squeeze %dma_wait3A_560 : memref<1x4x8x768xf32, #tpu.memory_space<hbm>> -> memref<4x8x768xf32, #tpu.memory_space<hbm>>
    %dma_wait3A_562 = arith.constant 0 : i32
    %dma_wait3A_563 = arith.constant 0 : i32
    %dma_wait3A_564 = arith.constant 0 : i32
    %dma_wait3A_565 = tpu.memref_slice %arg4[%add3A_370, %dma_wait3A_562, %dma_wait3A_563, %dma_wait3A_564] : memref<1024x4x8x768xf32, #tpu.memory_space<hbm>> -> memref<1x4x8x768xf32, #tpu.memory_space<hbm>>
    %dma_wait3A_566 = tpu.memref_squeeze %dma_wait3A_565 : memref<1x4x8x768xf32, #tpu.memory_space<hbm>> -> memref<4x8x768xf32, #tpu.memory_space<hbm>>
    tpu.wait_dma2 semaphore(%arg7 : memref<!tpu.dma_semaphore, #tpu.memory_space<semaphore_mem>>) src(%arg6 : memref<4x8x768xf32, #tpu.memory_space<vmem>>) dst(%dma_wait3A_566 : memref<4x8x768xf32, #tpu.memory_space<hbm>>)
    %add3A_567 = arith.constant 29 : i32
    %add3A_568 = arith.addi %mul3A_2, %add3A_567 : i32
    %dma_start3A_569 = arith.constant 0 : i32
    %dma_start3A_570 = arith.constant 0 : i32
    %dma_start3A_571 = arith.constant 0 : i32
    %dma_start3A_572 = tpu.memref_slice %arg4[%add3A_568, %dma_start3A_569, %dma_start3A_570, %dma_start3A_571] : memref<1024x4x8x768xf32, #tpu.memory_space<hbm>> -> memref<1x4x8x768xf32, #tpu.memory_space<hbm>>
    %dma_start3A_573 = tpu.memref_squeeze %dma_start3A_572 : memref<1x4x8x768xf32, #tpu.memory_space<hbm>> -> memref<4x8x768xf32, #tpu.memory_space<hbm>>
    %dma_start3A_574 = arith.constant 0 : i32
    %dma_start3A_575 = arith.constant 0 : i32
    %dma_start3A_576 = arith.constant 0 : i32
    %dma_start3A_577 = tpu.memref_slice %arg4[%add3A_568, %dma_start3A_574, %dma_start3A_575, %dma_start3A_576] : memref<1024x4x8x768xf32, #tpu.memory_space<hbm>> -> memref<1x4x8x768xf32, #tpu.memory_space<hbm>>
    %dma_start3A_578 = tpu.memref_squeeze %dma_start3A_577 : memref<1x4x8x768xf32, #tpu.memory_space<hbm>> -> memref<4x8x768xf32, #tpu.memory_space<hbm>>
    tpu.enqueue_dma source(%arg6 : memref<4x8x768xf32, #tpu.memory_space<vmem>>) target(%dma_start3A_578 : memref<4x8x768xf32, #tpu.memory_space<hbm>>) target_semaphore(%arg7 : memref<!tpu.dma_semaphore, #tpu.memory_space<semaphore_mem>>)
    %dma_wait3A_579 = arith.constant 0 : i32
    %dma_wait3A_580 = arith.constant 0 : i32
    %dma_wait3A_581 = arith.constant 0 : i32
    %dma_wait3A_582 = tpu.memref_slice %arg4[%add3A_392, %dma_wait3A_579, %dma_wait3A_580, %dma_wait3A_581] : memref<1024x4x8x768xf32, #tpu.memory_space<hbm>> -> memref<1x4x8x768xf32, #tpu.memory_space<hbm>>
    %dma_wait3A_583 = tpu.memref_squeeze %dma_wait3A_582 : memref<1x4x8x768xf32, #tpu.memory_space<hbm>> -> memref<4x8x768xf32, #tpu.memory_space<hbm>>
    %dma_wait3A_584 = arith.constant 0 : i32
    %dma_wait3A_585 = arith.constant 0 : i32
    %dma_wait3A_586 = arith.constant 0 : i32
    %dma_wait3A_587 = tpu.memref_slice %arg4[%add3A_392, %dma_wait3A_584, %dma_wait3A_585, %dma_wait3A_586] : memref<1024x4x8x768xf32, #tpu.memory_space<hbm>> -> memref<1x4x8x768xf32, #tpu.memory_space<hbm>>
    %dma_wait3A_588 = tpu.memref_squeeze %dma_wait3A_587 : memref<1x4x8x768xf32, #tpu.memory_space<hbm>> -> memref<4x8x768xf32, #tpu.memory_space<hbm>>
    tpu.wait_dma2 semaphore(%arg7 : memref<!tpu.dma_semaphore, #tpu.memory_space<semaphore_mem>>) src(%arg6 : memref<4x8x768xf32, #tpu.memory_space<vmem>>) dst(%dma_wait3A_588 : memref<4x8x768xf32, #tpu.memory_space<hbm>>)
    %add3A_589 = arith.constant 30 : i32
    %add3A_590 = arith.addi %mul3A_2, %add3A_589 : i32
    %dma_start3A_591 = arith.constant 0 : i32
    %dma_start3A_592 = arith.constant 0 : i32
    %dma_start3A_593 = arith.constant 0 : i32
    %dma_start3A_594 = tpu.memref_slice %arg4[%add3A_590, %dma_start3A_591, %dma_start3A_592, %dma_start3A_593] : memref<1024x4x8x768xf32, #tpu.memory_space<hbm>> -> memref<1x4x8x768xf32, #tpu.memory_space<hbm>>
    %dma_start3A_595 = tpu.memref_squeeze %dma_start3A_594 : memref<1x4x8x768xf32, #tpu.memory_space<hbm>> -> memref<4x8x768xf32, #tpu.memory_space<hbm>>
    %dma_start3A_596 = arith.constant 0 : i32
    %dma_start3A_597 = arith.constant 0 : i32
    %dma_start3A_598 = arith.constant 0 : i32
    %dma_start3A_599 = tpu.memref_slice %arg4[%add3A_590, %dma_start3A_596, %dma_start3A_597, %dma_start3A_598] : memref<1024x4x8x768xf32, #tpu.memory_space<hbm>> -> memref<1x4x8x768xf32, #tpu.memory_space<hbm>>
    %dma_start3A_600 = tpu.memref_squeeze %dma_start3A_599 : memref<1x4x8x768xf32, #tpu.memory_space<hbm>> -> memref<4x8x768xf32, #tpu.memory_space<hbm>>
    tpu.enqueue_dma source(%arg6 : memref<4x8x768xf32, #tpu.memory_space<vmem>>) target(%dma_start3A_600 : memref<4x8x768xf32, #tpu.memory_space<hbm>>) target_semaphore(%arg7 : memref<!tpu.dma_semaphore, #tpu.memory_space<semaphore_mem>>)
    %dma_wait3A_601 = arith.constant 0 : i32
    %dma_wait3A_602 = arith.constant 0 : i32
    %dma_wait3A_603 = arith.constant 0 : i32
    %dma_wait3A_604 = tpu.memref_slice %arg4[%add3A_414, %dma_wait3A_601, %dma_wait3A_602, %dma_wait3A_603] : memref<1024x4x8x768xf32, #tpu.memory_space<hbm>> -> memref<1x4x8x768xf32, #tpu.memory_space<hbm>>
    %dma_wait3A_605 = tpu.memref_squeeze %dma_wait3A_604 : memref<1x4x8x768xf32, #tpu.memory_space<hbm>> -> memref<4x8x768xf32, #tpu.memory_space<hbm>>
    %dma_wait3A_606 = arith.constant 0 : i32
    %dma_wait3A_607 = arith.constant 0 : i32
    %dma_wait3A_608 = arith.constant 0 : i32
    %dma_wait3A_609 = tpu.memref_slice %arg4[%add3A_414, %dma_wait3A_606, %dma_wait3A_607, %dma_wait3A_608] : memref<1024x4x8x768xf32, #tpu.memory_space<hbm>> -> memref<1x4x8x768xf32, #tpu.memory_space<hbm>>
    %dma_wait3A_610 = tpu.memref_squeeze %dma_wait3A_609 : memref<1x4x8x768xf32, #tpu.memory_space<hbm>> -> memref<4x8x768xf32, #tpu.memory_space<hbm>>
    tpu.wait_dma2 semaphore(%arg7 : memref<!tpu.dma_semaphore, #tpu.memory_space<semaphore_mem>>) src(%arg6 : memref<4x8x768xf32, #tpu.memory_space<vmem>>) dst(%dma_wait3A_610 : memref<4x8x768xf32, #tpu.memory_space<hbm>>)
    %add3A_611 = arith.constant 31 : i32
    %add3A_612 = arith.addi %mul3A_2, %add3A_611 : i32
    %dma_start3A_613 = arith.constant 0 : i32
    %dma_start3A_614 = arith.constant 0 : i32
    %dma_start3A_615 = arith.constant 0 : i32
    %dma_start3A_616 = tpu.memref_slice %arg4[%add3A_612, %dma_start3A_613, %dma_start3A_614, %dma_start3A_615] : memref<1024x4x8x768xf32, #tpu.memory_space<hbm>> -> memref<1x4x8x768xf32, #tpu.memory_space<hbm>>
    %dma_start3A_617 = tpu.memref_squeeze %dma_start3A_616 : memref<1x4x8x768xf32, #tpu.memory_space<hbm>> -> memref<4x8x768xf32, #tpu.memory_space<hbm>>
    %dma_start3A_618 = arith.constant 0 : i32
    %dma_start3A_619 = arith.constant 0 : i32
    %dma_start3A_620 = arith.constant 0 : i32
    %dma_start3A_621 = tpu.memref_slice %arg4[%add3A_612, %dma_start3A_618, %dma_start3A_619, %dma_start3A_620] : memref<1024x4x8x768xf32, #tpu.memory_space<hbm>> -> memref<1x4x8x768xf32, #tpu.memory_space<hbm>>
    %dma_start3A_622 = tpu.memref_squeeze %dma_start3A_621 : memref<1x4x8x768xf32, #tpu.memory_space<hbm>> -> memref<4x8x768xf32, #tpu.memory_space<hbm>>
    tpu.enqueue_dma source(%arg6 : memref<4x8x768xf32, #tpu.memory_space<vmem>>) target(%dma_start3A_622 : memref<4x8x768xf32, #tpu.memory_space<hbm>>) target_semaphore(%arg7 : memref<!tpu.dma_semaphore, #tpu.memory_space<semaphore_mem>>)
    %dma_wait3A_623 = arith.constant 0 : i32
    %dma_wait3A_624 = arith.constant 0 : i32
    %dma_wait3A_625 = arith.constant 0 : i32
    %dma_wait3A_626 = tpu.memref_slice %arg4[%add3A_436, %dma_wait3A_623, %dma_wait3A_624, %dma_wait3A_625] : memref<1024x4x8x768xf32, #tpu.memory_space<hbm>> -> memref<1x4x8x768xf32, #tpu.memory_space<hbm>>
    %dma_wait3A_627 = tpu.memref_squeeze %dma_wait3A_626 : memref<1x4x8x768xf32, #tpu.memory_space<hbm>> -> memref<4x8x768xf32, #tpu.memory_space<hbm>>
    %dma_wait3A_628 = arith.constant 0 : i32
    %dma_wait3A_629 = arith.constant 0 : i32
    %dma_wait3A_630 = arith.constant 0 : i32
    %dma_wait3A_631 = tpu.memref_slice %arg4[%add3A_436, %dma_wait3A_628, %dma_wait3A_629, %dma_wait3A_630] : memref<1024x4x8x768xf32, #tpu.memory_space<hbm>> -> memref<1x4x8x768xf32, #tpu.memory_space<hbm>>
    %dma_wait3A_632 = tpu.memref_squeeze %dma_wait3A_631 : memref<1x4x8x768xf32, #tpu.memory_space<hbm>> -> memref<4x8x768xf32, #tpu.memory_space<hbm>>
    tpu.wait_dma2 semaphore(%arg7 : memref<!tpu.dma_semaphore, #tpu.memory_space<semaphore_mem>>) src(%arg6 : memref<4x8x768xf32, #tpu.memory_space<vmem>>) dst(%dma_wait3A_632 : memref<4x8x768xf32, #tpu.memory_space<hbm>>)
    %dma_wait3A_633 = arith.constant 0 : i32
    %dma_wait3A_634 = arith.constant 0 : i32
    %dma_wait3A_635 = arith.constant 0 : i32
    %dma_wait3A_636 = tpu.memref_slice %arg4[%add3A_458, %dma_wait3A_633, %dma_wait3A_634, %dma_wait3A_635] : memref<1024x4x8x768xf32, #tpu.memory_space<hbm>> -> memref<1x4x8x768xf32, #tpu.memory_space<hbm>>
    %dma_wait3A_637 = tpu.memref_squeeze %dma_wait3A_636 : memref<1x4x8x768xf32, #tpu.memory_space<hbm>> -> memref<4x8x768xf32, #tpu.memory_space<hbm>>
    %dma_wait3A_638 = arith.constant 0 : i32
    %dma_wait3A_639 = arith.constant 0 : i32
    %dma_wait3A_640 = arith.constant 0 : i32
    %dma_wait3A_641 = tpu.memref_slice %arg4[%add3A_458, %dma_wait3A_638, %dma_wait3A_639, %dma_wait3A_640] : memref<1024x4x8x768xf32, #tpu.memory_space<hbm>> -> memref<1x4x8x768xf32, #tpu.memory_space<hbm>>
    %dma_wait3A_642 = tpu.memref_squeeze %dma_wait3A_641 : memref<1x4x8x768xf32, #tpu.memory_space<hbm>> -> memref<4x8x768xf32, #tpu.memory_space<hbm>>
    tpu.wait_dma2 semaphore(%arg7 : memref<!tpu.dma_semaphore, #tpu.memory_space<semaphore_mem>>) src(%arg6 : memref<4x8x768xf32, #tpu.memory_space<vmem>>) dst(%dma_wait3A_642 : memref<4x8x768xf32, #tpu.memory_space<hbm>>)
    %dma_wait3A_643 = arith.constant 0 : i32
    %dma_wait3A_644 = arith.constant 0 : i32
    %dma_wait3A_645 = arith.constant 0 : i32
    %dma_wait3A_646 = tpu.memref_slice %arg4[%add3A_480, %dma_wait3A_643, %dma_wait3A_644, %dma_wait3A_645] : memref<1024x4x8x768xf32, #tpu.memory_space<hbm>> -> memref<1x4x8x768xf32, #tpu.memory_space<hbm>>
    %dma_wait3A_647 = tpu.memref_squeeze %dma_wait3A_646 : memref<1x4x8x768xf32, #tpu.memory_space<hbm>> -> memref<4x8x768xf32, #tpu.memory_space<hbm>>
    %dma_wait3A_648 = arith.constant 0 : i32
    %dma_wait3A_649 = arith.constant 0 : i32
    %dma_wait3A_650 = arith.constant 0 : i32
    %dma_wait3A_651 = tpu.memref_slice %arg4[%add3A_480, %dma_wait3A_648, %dma_wait3A_649, %dma_wait3A_650] : memref<1024x4x8x768xf32, #tpu.memory_space<hbm>> -> memref<1x4x8x768xf32, #tpu.memory_space<hbm>>
    %dma_wait3A_652 = tpu.memref_squeeze %dma_wait3A_651 : memref<1x4x8x768xf32, #tpu.memory_space<hbm>> -> memref<4x8x768xf32, #tpu.memory_space<hbm>>
    tpu.wait_dma2 semaphore(%arg7 : memref<!tpu.dma_semaphore, #tpu.memory_space<semaphore_mem>>) src(%arg6 : memref<4x8x768xf32, #tpu.memory_space<vmem>>) dst(%dma_wait3A_652 : memref<4x8x768xf32, #tpu.memory_space<hbm>>)
    %dma_wait3A_653 = arith.constant 0 : i32
    %dma_wait3A_654 = arith.constant 0 : i32
    %dma_wait3A_655 = arith.constant 0 : i32
    %dma_wait3A_656 = tpu.memref_slice %arg4[%add3A_502, %dma_wait3A_653, %dma_wait3A_654, %dma_wait3A_655] : memref<1024x4x8x768xf32, #tpu.memory_space<hbm>> -> memref<1x4x8x768xf32, #tpu.memory_space<hbm>>
    %dma_wait3A_657 = tpu.memref_squeeze %dma_wait3A_656 : memref<1x4x8x768xf32, #tpu.memory_space<hbm>> -> memref<4x8x768xf32, #tpu.memory_space<hbm>>
    %dma_wait3A_658 = arith.constant 0 : i32
    %dma_wait3A_659 = arith.constant 0 : i32
    %dma_wait3A_660 = arith.constant 0 : i32
    %dma_wait3A_661 = tpu.memref_slice %arg4[%add3A_502, %dma_wait3A_658, %dma_wait3A_659, %dma_wait3A_660] : memref<1024x4x8x768xf32, #tpu.memory_space<hbm>> -> memref<1x4x8x768xf32, #tpu.memory_space<hbm>>
    %dma_wait3A_662 = tpu.memref_squeeze %dma_wait3A_661 : memref<1x4x8x768xf32, #tpu.memory_space<hbm>> -> memref<4x8x768xf32, #tpu.memory_space<hbm>>
    tpu.wait_dma2 semaphore(%arg7 : memref<!tpu.dma_semaphore, #tpu.memory_space<semaphore_mem>>) src(%arg6 : memref<4x8x768xf32, #tpu.memory_space<vmem>>) dst(%dma_wait3A_662 : memref<4x8x768xf32, #tpu.memory_space<hbm>>)
    %dma_wait3A_663 = arith.constant 0 : i32
    %dma_wait3A_664 = arith.constant 0 : i32
    %dma_wait3A_665 = arith.constant 0 : i32
    %dma_wait3A_666 = tpu.memref_slice %arg4[%add3A_524, %dma_wait3A_663, %dma_wait3A_664, %dma_wait3A_665] : memref<1024x4x8x768xf32, #tpu.memory_space<hbm>> -> memref<1x4x8x768xf32, #tpu.memory_space<hbm>>
    %dma_wait3A_667 = tpu.memref_squeeze %dma_wait3A_666 : memref<1x4x8x768xf32, #tpu.memory_space<hbm>> -> memref<4x8x768xf32, #tpu.memory_space<hbm>>
    %dma_wait3A_668 = arith.constant 0 : i32
    %dma_wait3A_669 = arith.constant 0 : i32
    %dma_wait3A_670 = arith.constant 0 : i32
    %dma_wait3A_671 = tpu.memref_slice %arg4[%add3A_524, %dma_wait3A_668, %dma_wait3A_669, %dma_wait3A_670] : memref<1024x4x8x768xf32, #tpu.memory_space<hbm>> -> memref<1x4x8x768xf32, #tpu.memory_space<hbm>>
    %dma_wait3A_672 = tpu.memref_squeeze %dma_wait3A_671 : memref<1x4x8x768xf32, #tpu.memory_space<hbm>> -> memref<4x8x768xf32, #tpu.memory_space<hbm>>
    tpu.wait_dma2 semaphore(%arg7 : memref<!tpu.dma_semaphore, #tpu.memory_space<semaphore_mem>>) src(%arg6 : memref<4x8x768xf32, #tpu.memory_space<vmem>>) dst(%dma_wait3A_672 : memref<4x8x768xf32, #tpu.memory_space<hbm>>)
    %dma_wait3A_673 = arith.constant 0 : i32
    %dma_wait3A_674 = arith.constant 0 : i32
    %dma_wait3A_675 = arith.constant 0 : i32
    %dma_wait3A_676 = tpu.memref_slice %arg4[%add3A_546, %dma_wait3A_673, %dma_wait3A_674, %dma_wait3A_675] : memref<1024x4x8x768xf32, #tpu.memory_space<hbm>> -> memref<1x4x8x768xf32, #tpu.memory_space<hbm>>
    %dma_wait3A_677 = tpu.memref_squeeze %dma_wait3A_676 : memref<1x4x8x768xf32, #tpu.memory_space<hbm>> -> memref<4x8x768xf32, #tpu.memory_space<hbm>>
    %dma_wait3A_678 = arith.constant 0 : i32
    %dma_wait3A_679 = arith.constant 0 : i32
    %dma_wait3A_680 = arith.constant 0 : i32
    %dma_wait3A_681 = tpu.memref_slice %arg4[%add3A_546, %dma_wait3A_678, %dma_wait3A_679, %dma_wait3A_680] : memref<1024x4x8x768xf32, #tpu.memory_space<hbm>> -> memref<1x4x8x768xf32, #tpu.memory_space<hbm>>
    %dma_wait3A_682 = tpu.memref_squeeze %dma_wait3A_681 : memref<1x4x8x768xf32, #tpu.memory_space<hbm>> -> memref<4x8x768xf32, #tpu.memory_space<hbm>>
    tpu.wait_dma2 semaphore(%arg7 : memref<!tpu.dma_semaphore, #tpu.memory_space<semaphore_mem>>) src(%arg6 : memref<4x8x768xf32, #tpu.memory_space<vmem>>) dst(%dma_wait3A_682 : memref<4x8x768xf32, #tpu.memory_space<hbm>>)
    %dma_wait3A_683 = arith.constant 0 : i32
    %dma_wait3A_684 = arith.constant 0 : i32
    %dma_wait3A_685 = arith.constant 0 : i32
    %dma_wait3A_686 = tpu.memref_slice %arg4[%add3A_568, %dma_wait3A_683, %dma_wait3A_684, %dma_wait3A_685] : memref<1024x4x8x768xf32, #tpu.memory_space<hbm>> -> memref<1x4x8x768xf32, #tpu.memory_space<hbm>>
    %dma_wait3A_687 = tpu.memref_squeeze %dma_wait3A_686 : memref<1x4x8x768xf32, #tpu.memory_space<hbm>> -> memref<4x8x768xf32, #tpu.memory_space<hbm>>
    %dma_wait3A_688 = arith.constant 0 : i32
    %dma_wait3A_689 = arith.constant 0 : i32
    %dma_wait3A_690 = arith.constant 0 : i32
    %dma_wait3A_691 = tpu.memref_slice %arg4[%add3A_568, %dma_wait3A_688, %dma_wait3A_689, %dma_wait3A_690] : memref<1024x4x8x768xf32, #tpu.memory_space<hbm>> -> memref<1x4x8x768xf32, #tpu.memory_space<hbm>>
    %dma_wait3A_692 = tpu.memref_squeeze %dma_wait3A_691 : memref<1x4x8x768xf32, #tpu.memory_space<hbm>> -> memref<4x8x768xf32, #tpu.memory_space<hbm>>
    tpu.wait_dma2 semaphore(%arg7 : memref<!tpu.dma_semaphore, #tpu.memory_space<semaphore_mem>>) src(%arg6 : memref<4x8x768xf32, #tpu.memory_space<vmem>>) dst(%dma_wait3A_692 : memref<4x8x768xf32, #tpu.memory_space<hbm>>)
    %dma_wait3A_693 = arith.constant 0 : i32
    %dma_wait3A_694 = arith.constant 0 : i32
    %dma_wait3A_695 = arith.constant 0 : i32
    %dma_wait3A_696 = tpu.memref_slice %arg4[%add3A_590, %dma_wait3A_693, %dma_wait3A_694, %dma_wait3A_695] : memref<1024x4x8x768xf32, #tpu.memory_space<hbm>> -> memref<1x4x8x768xf32, #tpu.memory_space<hbm>>
    %dma_wait3A_697 = tpu.memref_squeeze %dma_wait3A_696 : memref<1x4x8x768xf32, #tpu.memory_space<hbm>> -> memref<4x8x768xf32, #tpu.memory_space<hbm>>
    %dma_wait3A_698 = arith.constant 0 : i32
    %dma_wait3A_699 = arith.constant 0 : i32
    %dma_wait3A_700 = arith.constant 0 : i32
    %dma_wait3A_701 = tpu.memref_slice %arg4[%add3A_590, %dma_wait3A_698, %dma_wait3A_699, %dma_wait3A_700] : memref<1024x4x8x768xf32, #tpu.memory_space<hbm>> -> memref<1x4x8x768xf32, #tpu.memory_space<hbm>>
    %dma_wait3A_702 = tpu.memref_squeeze %dma_wait3A_701 : memref<1x4x8x768xf32, #tpu.memory_space<hbm>> -> memref<4x8x768xf32, #tpu.memory_space<hbm>>
    tpu.wait_dma2 semaphore(%arg7 : memref<!tpu.dma_semaphore, #tpu.memory_space<semaphore_mem>>) src(%arg6 : memref<4x8x768xf32, #tpu.memory_space<vmem>>) dst(%dma_wait3A_702 : memref<4x8x768xf32, #tpu.memory_space<hbm>>)
    %dma_wait3A_703 = arith.constant 0 : i32
    %dma_wait3A_704 = arith.constant 0 : i32
    %dma_wait3A_705 = arith.constant 0 : i32
    %dma_wait3A_706 = tpu.memref_slice %arg4[%add3A_612, %dma_wait3A_703, %dma_wait3A_704, %dma_wait3A_705] : memref<1024x4x8x768xf32, #tpu.memory_space<hbm>> -> memref<1x4x8x768xf32, #tpu.memory_space<hbm>>
    %dma_wait3A_707 = tpu.memref_squeeze %dma_wait3A_706 : memref<1x4x8x768xf32, #tpu.memory_space<hbm>> -> memref<4x8x768xf32, #tpu.memory_space<hbm>>
    %dma_wait3A_708 = arith.constant 0 : i32
    %dma_wait3A_709 = arith.constant 0 : i32
    %dma_wait3A_710 = arith.constant 0 : i32
    %dma_wait3A_711 = tpu.memref_slice %arg4[%add3A_612, %dma_wait3A_708, %dma_wait3A_709, %dma_wait3A_710] : memref<1024x4x8x768xf32, #tpu.memory_space<hbm>> -> memref<1x4x8x768xf32, #tpu.memory_space<hbm>>
    %dma_wait3A_712 = tpu.memref_squeeze %dma_wait3A_711 : memref<1x4x8x768xf32, #tpu.memory_space<hbm>> -> memref<4x8x768xf32, #tpu.memory_space<hbm>>
    tpu.wait_dma2 semaphore(%arg7 : memref<!tpu.dma_semaphore, #tpu.memory_space<semaphore_mem>>) src(%arg6 : memref<4x8x768xf32, #tpu.memory_space<vmem>>) dst(%dma_wait3A_712 : memref<4x8x768xf32, #tpu.memory_space<hbm>>)
    return
  }
}

module attributes {stable_mosaic.version = 14 : i64} {
  func.func @_select_body(%arg0: memref<1024x768xf32, #tpu.memory_space<vmem>>, %arg1: memref<1024x768xf32, #tpu.memory_space<vmem>>, %arg2: memref<1024xf32, #tpu.memory_space<vmem>>, %arg3: memref<4x1024xf32, #tpu.memory_space<vmem>>, %arg4: memref<16xi32, #tpu.memory_space<vmem>>, %arg5: memref<1024x1024xf32, #tpu.memory_space<vmem>>) attributes {dimension_semantics = [], scalar_prefetch = 0 : i64, scratch_operands = 1 : i64, tpu.core_type = #tpu.core_type<tc>} {
    %get3A = arith.constant 0 : index
    %get3A_0 = arith.constant 0 : index
    %get3A_1 = vector.load %arg0[%get3A, %get3A_0] : memref<1024x768xf32, #tpu.memory_space<vmem>>, vector<1024x768xf32>
    %get3A_2 = arith.constant 0 : index
    %get3A_3 = arith.constant 0 : index
    %get3A_4 = vector.load %arg1[%get3A_2, %get3A_3] : memref<1024x768xf32, #tpu.memory_space<vmem>>, vector<1024x768xf32>
    %get3A_5 = arith.constant 0 : index
    %get3A_6 = vector.load %arg2[%get3A_5] : memref<1024xf32, #tpu.memory_space<vmem>>, vector<1024xf32>
    %dot_general3A = arith.constant dense<0.000000e+00> : vector<1024x1024xf32>
    %dot_general3A_7 = tpu.matmul %get3A_1, %get3A_4, %dot_general3A {dimension_numbers = #tpu.dot_dimension_numbers<[1], [1], [0], [0], [0, 0, 1, 0], [], []>, transpose_lhs_hint = false} : vector<1024x768xf32>, vector<1024x768xf32>, vector<1024x1024xf32> -> vector<1024x1024xf32>
    %mul3A = arith.mulf %get3A_1, %get3A_1 : vector<1024x768xf32>
    %reduce_sum3A = arith.constant dense<0.000000e+00> : vector<1024xf32>
    %reduce_sum3A_8 = vector.multi_reduction <add>, %mul3A, %reduce_sum3A [1] : vector<1024x768xf32> to vector<1024xf32>
    %broadcast_in_dim3A = vector.shape_cast %reduce_sum3A_8 : vector<1024xf32> to vector<1024x1xf32>
    %sqrt3A = math.sqrt %broadcast_in_dim3A : vector<1024x1xf32>
    %mul3A_9 = arith.mulf %get3A_4, %get3A_4 : vector<1024x768xf32>
    %reduce_sum3A_10 = arith.constant dense<0.000000e+00> : vector<1024xf32>
    %reduce_sum3A_11 = vector.multi_reduction <add>, %mul3A_9, %reduce_sum3A_10 [1] : vector<1024x768xf32> to vector<1024xf32>
    %sqrt3A_12 = math.sqrt %reduce_sum3A_11 : vector<1024xf32>
    %reshape3A = vector.shape_cast %sqrt3A_12 : vector<1024xf32> to vector<1x1024xf32>
    %mul3A_13 = vector.broadcast %sqrt3A : vector<1024x1xf32> to vector<1024x1024xf32>
    %mul3A_14 = vector.broadcast %reshape3A : vector<1x1024xf32> to vector<1024x1024xf32>
    %mul3A_15 = arith.mulf %mul3A_13, %mul3A_14 : vector<1024x1024xf32>
    %max3A = arith.constant 9.99999993E-9 : f32
    %max3A_16 = vector.broadcast %max3A : f32 to vector<1024x1024xf32>
    %max3A_17 = arith.maximumf %mul3A_15, %max3A_16 : vector<1024x1024xf32>
    %div3A = arith.divf %dot_general3A_7, %max3A_17 : vector<1024x1024xf32>
    %swap3A = arith.constant 0 : index
    %swap3A_18 = arith.constant 0 : index
    %swap3A_19 = vector.load %arg5[%swap3A, %swap3A_18] : memref<1024x1024xf32, #tpu.memory_space<vmem>>, vector<1024x1024xf32>
    tpu.vector_store %arg5[%swap3A, %swap3A_18], %div3A {strides = array<i32>} : memref<1024x1024xf32, #tpu.memory_space<vmem>>, vector<1024x1024xf32>,
    %div3A_20 = arith.constant 1.000000e+00 : f32
    %div3A_21 = vector.broadcast %div3A_20 : f32 to vector<1024xf32>
    %div3A_22 = arith.divf %div3A_21, %get3A_6 : vector<1024xf32>
    %abs3A = math.absf %div3A_22 : vector<1024xf32>
    %reduce_sum3A_23 = vector.shape_cast %abs3A : vector<1024xf32> to vector<1x1024xf32>
    %reduce_sum3A_24 = arith.constant dense<0.000000e+00> : vector<1xf32>
    %reduce_sum3A_25 = vector.multi_reduction <add>, %reduce_sum3A_23, %reduce_sum3A_24 [1] : vector<1x1024xf32> to vector<1xf32>
    %reduce_sum3A_26 = vector.shape_cast %reduce_sum3A_25 : vector<1xf32> to vector<1x1xf32>
    %reduce_sum3A_27 = vector.extract %reduce_sum3A_26[0, 0] : f32 from vector<1x1xf32>
    %div3A_28 = vector.broadcast %reduce_sum3A_27 : f32 to vector<1024xf32>
    %div3A_29 = arith.divf %div3A_22, %div3A_28 : vector<1024xf32>
    %iota3A = tpu.iota {dimensions = array<i32: 1>} : vector<1024x1024xi32>
    %reshape3A_30 = vector.shape_cast %div3A_29 : vector<1024xf32> to vector<1x1024xf32>
    %mul3A_31 = vector.broadcast %reshape3A_30 : vector<1x1024xf32> to vector<1024x1024xf32>
    %mul3A_32 = arith.mulf %div3A, %mul3A_31 : vector<1024x1024xf32>
    %broadcast_in_dim3A_33 = arith.constant false
    %broadcast_in_dim3A_34 = vector.broadcast %broadcast_in_dim3A_33 : i1 to vector<1024x1024xi1>
    %argmax3A = tpu.reduce_index %mul3A_32 {axis = 1 : i32, kind = #tpu.reduction_kind<arg_max>} : vector<1024x1024xf32> -> vector<1024xi32>
    %broadcast_in_dim3A_35 = vector.shape_cast %argmax3A : vector<1024xi32> to vector<1024x1xi32>
    %eq3A = vector.broadcast %broadcast_in_dim3A_35 : vector<1024x1xi32> to vector<1024x1024xi32>
    %eq3A_36 = arith.cmpi eq, %iota3A, %eq3A : vector<1024x1024xi32>
    %or3A = arith.ori %broadcast_in_dim3A_34, %eq3A_36 : vector<1024x1024xi1>
    %jit3A = arith.constant 0xFF800000 : f32
    %broadcast_in_dim3A_37 = vector.broadcast %jit3A : f32 to vector<1024x1024xf32>
    %select_n3A = arith.select %eq3A_36, %broadcast_in_dim3A_37, %mul3A_32 : vector<1024x1024xi1>, vector<1024x1024xf32>
    %argmax3A_38 = tpu.reduce_index %select_n3A {axis = 1 : i32, kind = #tpu.reduction_kind<arg_max>} : vector<1024x1024xf32> -> vector<1024xi32>
    %broadcast_in_dim3A_39 = vector.shape_cast %argmax3A_38 : vector<1024xi32> to vector<1024x1xi32>
    %eq3A_40 = vector.broadcast %broadcast_in_dim3A_39 : vector<1024x1xi32> to vector<1024x1024xi32>
    %eq3A_41 = arith.cmpi eq, %iota3A, %eq3A_40 : vector<1024x1024xi32>
    %or3A_42 = arith.ori %or3A, %eq3A_41 : vector<1024x1024xi1>
    %jit3A_43 = arith.constant 0xFF800000 : f32
    %broadcast_in_dim3A_44 = vector.broadcast %jit3A_43 : f32 to vector<1024x1024xf32>
    %select_n3A_45 = arith.select %eq3A_41, %broadcast_in_dim3A_44, %select_n3A : vector<1024x1024xi1>, vector<1024x1024xf32>
    %argmax3A_46 = tpu.reduce_index %select_n3A_45 {axis = 1 : i32, kind = #tpu.reduction_kind<arg_max>} : vector<1024x1024xf32> -> vector<1024xi32>
    %broadcast_in_dim3A_47 = vector.shape_cast %argmax3A_46 : vector<1024xi32> to vector<1024x1xi32>
    %eq3A_48 = vector.broadcast %broadcast_in_dim3A_47 : vector<1024x1xi32> to vector<1024x1024xi32>
    %eq3A_49 = arith.cmpi eq, %iota3A, %eq3A_48 : vector<1024x1024xi32>
    %or3A_50 = arith.ori %or3A_42, %eq3A_49 : vector<1024x1024xi1>
    %jit3A_51 = arith.constant 0xFF800000 : f32
    %broadcast_in_dim3A_52 = vector.broadcast %jit3A_51 : f32 to vector<1024x1024xf32>
    %select_n3A_53 = arith.select %eq3A_49, %broadcast_in_dim3A_52, %select_n3A_45 : vector<1024x1024xi1>, vector<1024x1024xf32>
    %argmax3A_54 = tpu.reduce_index %select_n3A_53 {axis = 1 : i32, kind = #tpu.reduction_kind<arg_max>} : vector<1024x1024xf32> -> vector<1024xi32>
    %broadcast_in_dim3A_55 = vector.shape_cast %argmax3A_54 : vector<1024xi32> to vector<1024x1xi32>
    %eq3A_56 = vector.broadcast %broadcast_in_dim3A_55 : vector<1024x1xi32> to vector<1024x1024xi32>
    %eq3A_57 = arith.cmpi eq, %iota3A, %eq3A_56 : vector<1024x1024xi32>
    %or3A_58 = arith.ori %or3A_50, %eq3A_57 : vector<1024x1024xi1>
    %convert_element_type3A = arith.extui %or3A_58 : vector<1024x1024xi1> to vector<1024x1024xi32>
    %reduce_sum3A_59 = arith.constant dense<0> : vector<1024xi32>
    %reduce_sum3A_60 = vector.multi_reduction <add>, %convert_element_type3A, %reduce_sum3A_59 [0] : vector<1024x1024xi32> to vector<1024xi32>
    %reshape3A_61 = vector.shape_cast %reduce_sum3A_60 : vector<1024xi32> to vector<1x1024xi32>
    %iota3A_62 = tpu.iota {dimensions = array<i32: 1>} : vector<1x1024xi32>
    %iota3A_63 = tpu.iota {dimensions = array<i32: 1>} : vector<1x16xi32>
    %broadcast_in_dim3A_64 = arith.constant 0 : i32
    %broadcast_in_dim3A_65 = vector.broadcast %broadcast_in_dim3A_64 : i32 to vector<1x16xi32>
    %reduce_max3A = vector.shape_cast %reshape3A_61 : vector<1x1024xi32> to vector<1x1x1024xi32>
    %reduce_max3A_66 = arith.constant dense<-2147483648> : vector<1xi32>
    %reduce_max3A_67 = vector.multi_reduction <maxsi>, %reduce_max3A, %reduce_max3A_66 [1, 2] : vector<1x1x1024xi32> to vector<1xi32>
    %reduce_max3A_68 = vector.shape_cast %reduce_max3A_67 : vector<1xi32> to vector<1x1x1xi32>
    %reduce_max3A_69 = vector.extract %reduce_max3A_68[0, 0, 0] : i32 from vector<1x1x1xi32>
    %eq3A_70 = vector.broadcast %reduce_max3A_69 : i32 to vector<1x1024xi32>
    %eq3A_71 = arith.cmpi eq, %reshape3A_61, %eq3A_70 : vector<1x1024xi32>
    %jit3A_72 = arith.constant 1024 : i32
    %broadcast_in_dim3A_73 = vector.broadcast %jit3A_72 : i32 to vector<1x1024xi32>
    %select_n3A_74 = arith.select %eq3A_71, %iota3A_62, %broadcast_in_dim3A_73 : vector<1x1024xi1>, vector<1x1024xi32>
    %reduce_min3A = vector.shape_cast %select_n3A_74 : vector<1x1024xi32> to vector<1x1x1024xi32>
    %reduce_min3A_75 = arith.constant dense<2147483647> : vector<1xi32>
    %reduce_min3A_76 = vector.multi_reduction <minsi>, %reduce_min3A, %reduce_min3A_75 [1, 2] : vector<1x1x1024xi32> to vector<1xi32>
    %reduce_min3A_77 = vector.shape_cast %reduce_min3A_76 : vector<1xi32> to vector<1x1x1xi32>
    %reduce_min3A_78 = vector.extract %reduce_min3A_77[0, 0, 0] : i32 from vector<1x1x1xi32>
    %eq3A_79 = vector.broadcast %reduce_min3A_78 : i32 to vector<1x1024xi32>
    %eq3A_80 = arith.cmpi eq, %iota3A_62, %eq3A_79 : vector<1x1024xi32>
    %jit3A_81 = arith.constant -1 : i32
    %broadcast_in_dim3A_82 = vector.broadcast %jit3A_81 : i32 to vector<1x1024xi32>
    %select_n3A_83 = arith.select %eq3A_80, %broadcast_in_dim3A_82, %reshape3A_61 : vector<1x1024xi1>, vector<1x1024xi32>
    %eq3A_84 = arith.constant 0 : i32
    %eq3A_85 = vector.broadcast %eq3A_84 : i32 to vector<1x16xi32>
    %eq3A_86 = arith.cmpi eq, %iota3A_63, %eq3A_85 : vector<1x16xi32>
    %broadcast_in_dim3A_87 = vector.broadcast %reduce_min3A_78 : i32 to vector<1x16xi32>
    %select_n3A_88 = arith.select %eq3A_86, %broadcast_in_dim3A_87, %broadcast_in_dim3A_65 : vector<1x16xi1>, vector<1x16xi32>
    %get3A_89 = arith.index_cast %reduce_min3A_78 : i32 to index
    %get3A_90 = arith.constant 0 : index
    %get3A_91 = vector.load %arg5[%get3A_89, %get3A_90] : memref<1024x1024xf32, #tpu.memory_space<vmem>>, vector<1x1024xf32>
    %swap3A_92 = arith.constant 0 : index
    %swap3A_93 = arith.constant 0 : index
    %swap3A_94 = vector.load %arg3[%swap3A_92, %swap3A_93] : memref<4x1024xf32, #tpu.memory_space<vmem>>, vector<1x1024xf32>
    tpu.vector_store %arg3[%swap3A_92, %swap3A_93], %get3A_91 {strides = array<i32>} : memref<4x1024xf32, #tpu.memory_space<vmem>>, vector<1x1024xf32>,
    %reduce_max3A_95 = vector.shape_cast %select_n3A_83 : vector<1x1024xi32> to vector<1x1x1024xi32>
    %reduce_max3A_96 = arith.constant dense<-2147483648> : vector<1xi32>
    %reduce_max3A_97 = vector.multi_reduction <maxsi>, %reduce_max3A_95, %reduce_max3A_96 [1, 2] : vector<1x1x1024xi32> to vector<1xi32>
    %reduce_max3A_98 = vector.shape_cast %reduce_max3A_97 : vector<1xi32> to vector<1x1x1xi32>
    %reduce_max3A_99 = vector.extract %reduce_max3A_98[0, 0, 0] : i32 from vector<1x1x1xi32>
    %eq3A_100 = vector.broadcast %reduce_max3A_99 : i32 to vector<1x1024xi32>
    %eq3A_101 = arith.cmpi eq, %select_n3A_83, %eq3A_100 : vector<1x1024xi32>
    %jit3A_102 = arith.constant 1024 : i32
    %broadcast_in_dim3A_103 = vector.broadcast %jit3A_102 : i32 to vector<1x1024xi32>
    %select_n3A_104 = arith.select %eq3A_101, %iota3A_62, %broadcast_in_dim3A_103 : vector<1x1024xi1>, vector<1x1024xi32>
    %reduce_min3A_105 = vector.shape_cast %select_n3A_104 : vector<1x1024xi32> to vector<1x1x1024xi32>
    %reduce_min3A_106 = arith.constant dense<2147483647> : vector<1xi32>
    %reduce_min3A_107 = vector.multi_reduction <minsi>, %reduce_min3A_105, %reduce_min3A_106 [1, 2] : vector<1x1x1024xi32> to vector<1xi32>
    %reduce_min3A_108 = vector.shape_cast %reduce_min3A_107 : vector<1xi32> to vector<1x1x1xi32>
    %reduce_min3A_109 = vector.extract %reduce_min3A_108[0, 0, 0] : i32 from vector<1x1x1xi32>
    %eq3A_110 = vector.broadcast %reduce_min3A_109 : i32 to vector<1x1024xi32>
    %eq3A_111 = arith.cmpi eq, %iota3A_62, %eq3A_110 : vector<1x1024xi32>
    %jit3A_112 = arith.constant -1 : i32
    %broadcast_in_dim3A_113 = vector.broadcast %jit3A_112 : i32 to vector<1x1024xi32>
    %select_n3A_114 = arith.select %eq3A_111, %broadcast_in_dim3A_113, %select_n3A_83 : vector<1x1024xi1>, vector<1x1024xi32>
    %eq3A_115 = arith.constant 1 : i32
    %eq3A_116 = vector.broadcast %eq3A_115 : i32 to vector<1x16xi32>
    %eq3A_117 = arith.cmpi eq, %iota3A_63, %eq3A_116 : vector<1x16xi32>
    %broadcast_in_dim3A_118 = vector.broadcast %reduce_min3A_109 : i32 to vector<1x16xi32>
    %select_n3A_119 = arith.select %eq3A_117, %broadcast_in_dim3A_118, %select_n3A_88 : vector<1x16xi1>, vector<1x16xi32>
    %get3A_120 = arith.index_cast %reduce_min3A_109 : i32 to index
    %get3A_121 = arith.constant 0 : index
    %get3A_122 = vector.load %arg5[%get3A_120, %get3A_121] : memref<1024x1024xf32, #tpu.memory_space<vmem>>, vector<1x1024xf32>
    %swap3A_123 = arith.constant 1 : index
    %swap3A_124 = arith.constant 0 : index
    %swap3A_125 = vector.load %arg3[%swap3A_123, %swap3A_124] : memref<4x1024xf32, #tpu.memory_space<vmem>>, vector<1x1024xf32>
    tpu.vector_store %arg3[%swap3A_123, %swap3A_124], %get3A_122 {strides = array<i32>} : memref<4x1024xf32, #tpu.memory_space<vmem>>, vector<1x1024xf32>,
    %reduce_max3A_126 = vector.shape_cast %select_n3A_114 : vector<1x1024xi32> to vector<1x1x1024xi32>
    %reduce_max3A_127 = arith.constant dense<-2147483648> : vector<1xi32>
    %reduce_max3A_128 = vector.multi_reduction <maxsi>, %reduce_max3A_126, %reduce_max3A_127 [1, 2] : vector<1x1x1024xi32> to vector<1xi32>
    %reduce_max3A_129 = vector.shape_cast %reduce_max3A_128 : vector<1xi32> to vector<1x1x1xi32>
    %reduce_max3A_130 = vector.extract %reduce_max3A_129[0, 0, 0] : i32 from vector<1x1x1xi32>
    %eq3A_131 = vector.broadcast %reduce_max3A_130 : i32 to vector<1x1024xi32>
    %eq3A_132 = arith.cmpi eq, %select_n3A_114, %eq3A_131 : vector<1x1024xi32>
    %jit3A_133 = arith.constant 1024 : i32
    %broadcast_in_dim3A_134 = vector.broadcast %jit3A_133 : i32 to vector<1x1024xi32>
    %select_n3A_135 = arith.select %eq3A_132, %iota3A_62, %broadcast_in_dim3A_134 : vector<1x1024xi1>, vector<1x1024xi32>
    %reduce_min3A_136 = vector.shape_cast %select_n3A_135 : vector<1x1024xi32> to vector<1x1x1024xi32>
    %reduce_min3A_137 = arith.constant dense<2147483647> : vector<1xi32>
    %reduce_min3A_138 = vector.multi_reduction <minsi>, %reduce_min3A_136, %reduce_min3A_137 [1, 2] : vector<1x1x1024xi32> to vector<1xi32>
    %reduce_min3A_139 = vector.shape_cast %reduce_min3A_138 : vector<1xi32> to vector<1x1x1xi32>
    %reduce_min3A_140 = vector.extract %reduce_min3A_139[0, 0, 0] : i32 from vector<1x1x1xi32>
    %eq3A_141 = vector.broadcast %reduce_min3A_140 : i32 to vector<1x1024xi32>
    %eq3A_142 = arith.cmpi eq, %iota3A_62, %eq3A_141 : vector<1x1024xi32>
    %jit3A_143 = arith.constant -1 : i32
    %broadcast_in_dim3A_144 = vector.broadcast %jit3A_143 : i32 to vector<1x1024xi32>
    %select_n3A_145 = arith.select %eq3A_142, %broadcast_in_dim3A_144, %select_n3A_114 : vector<1x1024xi1>, vector<1x1024xi32>
    %eq3A_146 = arith.constant 2 : i32
    %eq3A_147 = vector.broadcast %eq3A_146 : i32 to vector<1x16xi32>
    %eq3A_148 = arith.cmpi eq, %iota3A_63, %eq3A_147 : vector<1x16xi32>
    %broadcast_in_dim3A_149 = vector.broadcast %reduce_min3A_140 : i32 to vector<1x16xi32>
    %select_n3A_150 = arith.select %eq3A_148, %broadcast_in_dim3A_149, %select_n3A_119 : vector<1x16xi1>, vector<1x16xi32>
    %get3A_151 = arith.index_cast %reduce_min3A_140 : i32 to index
    %get3A_152 = arith.constant 0 : index
    %get3A_153 = vector.load %arg5[%get3A_151, %get3A_152] : memref<1024x1024xf32, #tpu.memory_space<vmem>>, vector<1x1024xf32>
    %swap3A_154 = arith.constant 2 : index
    %swap3A_155 = arith.constant 0 : index
    %swap3A_156 = vector.load %arg3[%swap3A_154, %swap3A_155] : memref<4x1024xf32, #tpu.memory_space<vmem>>, vector<1x1024xf32>
    tpu.vector_store %arg3[%swap3A_154, %swap3A_155], %get3A_153 {strides = array<i32>} : memref<4x1024xf32, #tpu.memory_space<vmem>>, vector<1x1024xf32>,
    %reduce_max3A_157 = vector.shape_cast %select_n3A_145 : vector<1x1024xi32> to vector<1x1x1024xi32>
    %reduce_max3A_158 = arith.constant dense<-2147483648> : vector<1xi32>
    %reduce_max3A_159 = vector.multi_reduction <maxsi>, %reduce_max3A_157, %reduce_max3A_158 [1, 2] : vector<1x1x1024xi32> to vector<1xi32>
    %reduce_max3A_160 = vector.shape_cast %reduce_max3A_159 : vector<1xi32> to vector<1x1x1xi32>
    %reduce_max3A_161 = vector.extract %reduce_max3A_160[0, 0, 0] : i32 from vector<1x1x1xi32>
    %eq3A_162 = vector.broadcast %reduce_max3A_161 : i32 to vector<1x1024xi32>
    %eq3A_163 = arith.cmpi eq, %select_n3A_145, %eq3A_162 : vector<1x1024xi32>
    %jit3A_164 = arith.constant 1024 : i32
    %broadcast_in_dim3A_165 = vector.broadcast %jit3A_164 : i32 to vector<1x1024xi32>
    %select_n3A_166 = arith.select %eq3A_163, %iota3A_62, %broadcast_in_dim3A_165 : vector<1x1024xi1>, vector<1x1024xi32>
    %reduce_min3A_167 = vector.shape_cast %select_n3A_166 : vector<1x1024xi32> to vector<1x1x1024xi32>
    %reduce_min3A_168 = arith.constant dense<2147483647> : vector<1xi32>
    %reduce_min3A_169 = vector.multi_reduction <minsi>, %reduce_min3A_167, %reduce_min3A_168 [1, 2] : vector<1x1x1024xi32> to vector<1xi32>
    %reduce_min3A_170 = vector.shape_cast %reduce_min3A_169 : vector<1xi32> to vector<1x1x1xi32>
    %reduce_min3A_171 = vector.extract %reduce_min3A_170[0, 0, 0] : i32 from vector<1x1x1xi32>
    %eq3A_172 = arith.constant 3 : i32
    %eq3A_173 = vector.broadcast %eq3A_172 : i32 to vector<1x16xi32>
    %eq3A_174 = arith.cmpi eq, %iota3A_63, %eq3A_173 : vector<1x16xi32>
    %broadcast_in_dim3A_175 = vector.broadcast %reduce_min3A_171 : i32 to vector<1x16xi32>
    %select_n3A_176 = arith.select %eq3A_174, %broadcast_in_dim3A_175, %select_n3A_150 : vector<1x16xi1>, vector<1x16xi32>
    %get3A_177 = arith.index_cast %reduce_min3A_171 : i32 to index
    %get3A_178 = arith.constant 0 : index
    %get3A_179 = vector.load %arg5[%get3A_177, %get3A_178] : memref<1024x1024xf32, #tpu.memory_space<vmem>>, vector<1x1024xf32>
    %swap3A_180 = arith.constant 3 : index
    %swap3A_181 = arith.constant 0 : index
    %swap3A_182 = vector.load %arg3[%swap3A_180, %swap3A_181] : memref<4x1024xf32, #tpu.memory_space<vmem>>, vector<1x1024xf32>
    tpu.vector_store %arg3[%swap3A_180, %swap3A_181], %get3A_179 {strides = array<i32>} : memref<4x1024xf32, #tpu.memory_space<vmem>>, vector<1x1024xf32>,
    %reshape3A_183 = vector.shape_cast %select_n3A_176 : vector<1x16xi32> to vector<16xi32>
    %swap3A_184 = arith.constant 0 : index
    %swap3A_185 = vector.load %arg4[%swap3A_184] : memref<16xi32, #tpu.memory_space<vmem>>, vector<16xi32>
    tpu.vector_store %arg4[%swap3A_184], %reshape3A_183 {strides = array<i32>} : memref<16xi32, #tpu.memory_space<vmem>>, vector<16xi32>,
    return
  }
}

module attributes {stable_mosaic.version = 14 : i64} {
  func.func @_tile_body(%arg0: i32, %arg1: memref<4x1024xf32, #tpu.memory_space<vmem>>, %arg2: memref<128x4x1024xf32, #tpu.memory_space<vmem>>) attributes {dimension_semantics = [#tpu.dimension_semantics<arbitrary>], iteration_bounds = array<i64: 8>, scalar_prefetch = 0 : i64, scratch_operands = 0 : i64, tpu.core_type = #tpu.core_type<tc>, window_params = [{pipeline_mode = #tpu.pipeline_mode<synchronous>, transform_indices = @transform_0, window_bounds = array<i64: 4, 1024>}, {transform_indices = @transform_1, window_bounds = array<i64: 128, 4, 1024>}]} {
    %get3A = arith.constant 0 : index
    %get3A_0 = arith.constant 0 : index
    %get3A_1 = vector.load %arg1[%get3A, %get3A_0] : memref<4x1024xf32, #tpu.memory_space<vmem>>, vector<4x1024xf32>
    %broadcast_in_dim3A = vector.shape_cast %get3A_1 : vector<4x1024xf32> to vector<1x4x1024xf32>
    %broadcast_in_dim3A_2 = vector.shape_cast %broadcast_in_dim3A : vector<1x4x1024xf32> to vector<1x4x1024xf32>
    %broadcast_in_dim3A_3 = vector.broadcast %broadcast_in_dim3A_2 : vector<1x4x1024xf32> to vector<128x4x1024xf32>
    %swap3A = arith.constant 0 : index
    %swap3A_4 = arith.constant 0 : index
    %swap3A_5 = arith.constant 0 : index
    %swap3A_6 = vector.load %arg2[%swap3A, %swap3A_4, %swap3A_5] : memref<128x4x1024xf32, #tpu.memory_space<vmem>>, vector<128x4x1024xf32>
    tpu.vector_store %arg2[%swap3A, %swap3A_4, %swap3A_5], %broadcast_in_dim3A_3 {strides = array<i32>} : memref<128x4x1024xf32, #tpu.memory_space<vmem>>, vector<128x4x1024xf32>,
    return
  }
  func.func @transform_0(%arg0: i32) -> (i32, i32) {
    %c0_i32 = arith.constant 0 : i32
    %c0_i32_0 = arith.constant 0 : i32
    %c0_i32_1 = arith.constant 0 : i32
    return %c0_i32, %c0_i32_0 : i32, i32
  }
  func.func @transform_1(%arg0: i32) -> (i32, i32, i32) {
    %c0_i32 = arith.constant 0 : i32
    %c0_i32_0 = arith.constant 0 : i32
    %c0_i32_1 = arith.constant 0 : i32
    return %arg0, %c0_i32, %c0_i32_0 : i32, i32, i32
  }
}

</mosaic_0001>

<sc_bundles>
// kernel: kernel.5.cloned.1.call-start
scs
__scs_entry_jumppad:
0x0: {  	(pc) =	sbr.rel $0x88, $3  }
0x1: {  	(tag) =	ssettag $0x0;
	lr =	simm.s32 $0x1  }
0x2: {  	[smem:$0x3F9D] =	sst lr;
	_ =	strace $0xD0000000  }
0x3: {  	_ = 	snop  }
0x4: {  	_ = 	snop  }
0x5: {  	_ = 	snop  }
0x6: {  	_ = 	snop  }
0x7: {  	_ = 	snop  }
__scs_overlays_trampoline_lowered:
0x8: {  	[smem:$0x3FAC] =	sst s0  }
0x9: {  	[smem:$0x3FAD] =	sst s1  }
0xa: {  	[smem:$0x3FAE] =	sst s2  }
0xb: {  	[smem:$0x3FAF] =	sst s3  }
0xc: {  	[smem:$0x3FB0] =	sst s4  }
0xd: {  	[smem:$0x3FB1] =	sst s5  }
0xe: {  	[smem:$0x3FB2] =	sst s6  }
0xf: {  	[smem:$0x3FB3] =	sst s7  }
0x10: {  	[smem:$0x3FB4] =	sst s8  }
0x11: {  	[smem:$0x3FB5] =	sst s9;
	s0 =	simm.s32 @!p0 $0x0  }
0x12: {  	s1 =	sld [smem:$0x3F9B];
	s0 =	simm.s32 @p0 $0x1  }
0x13: {  	[smem:$0x3FB6] =	sst s0;
	s0 =	simm.s32 @!p1 $0x0  }
0x14: {  	s2 =	sld [smem:$0x3F9A];
	s0 =	simm.s32 @p1 $0x1  }
0x15: {  	[smem:$0x3FB7] =	sst s0;
	s0 =	simm.s32 @!p2 $0x0  }
0x16: {  	s3 =	sld [smem:$0x3FDB];
	s0 =	simm.s32 @p2 $0x1  }
0x17: {  	s4 =	simm.s32 $0x1BF5;
	[smem:$0x3FB9] =	sst s0  }
0x18: {  	s0 =	sld [smem:$0x3F9C];
	_ =	swait.ge [sflag:s4], $0x0  }
0x19: {  	s7 =	sld [smem:$0x3F9D]  }
0x1a: {  	s8 =	sadd.s32 $0xFFFFE003, lr  }
0x1b: {  	s9 =	sadd.s32 $0xFFFFFEF7, lr;
	s5 =	simm.s32 $0xFFFFFFFF;
	p2 =	slt.u32 s8, $0xFFFFF086  }
0x1c: {  	p1 =	slt.u32 s9, $0xF7A;
	s5 =	simm.s32 @!p2 $0x0  }
0x1d: {  	s5 =	simm.s32 @p1 $0x1;
	p0 =	seq.s32 s7, s2  }
0x1e: {  	s7 =	smul.u32 @!p0 $0xF7A, s2;
	p2 =	seq.s32 @!p0 s5, $0x0  }
0x1f: {  	s9 =	smul.u32 $0xF7A, s1;
	s8 =	simm.s32 @!p0 $0x1BF5;
	p2 =	por !p2, p0  }
0x20: {  	[sflag:s8] =	ssyncset.s32 @!p0 $0xFFFFF086;
	s6 =	sadd.s32 @!p0 s3, s7;
	s7 =	simm.s32 @!p0 $0x108  }
0x21: {  	s3 =	sadd.s32 s3, s9;
	s6 =	sadd.s32 @!p0 $0x88, s6;
	s7 =	simm.s32 @p2 $0x1082  }
0x22: {  	[simem:s7], [sflag:s8] =	dma.local @!p0 [hbm:s6], $0xF7A  }
0x23: {  	s9 =	sor.u32 $0xD0000000, s2;
	s6 =	simm.s32 $0x108;
	_ =	swait.ge @!p0 [sflag:s8], $0x0  }
0x24: {  	s3 =	sadd.s32 $0x88, s3;
	s6 =	simm.s32 @!p1 $0x1082;
	[sflag:s4] =	ssyncset.s32 $0xFFFFF086  }
0x25: {  	[simem:s6], [sflag:s4] =	dma.local [hbm:s3], $0xF7A  }
0x26: {  	[smem:$0x3F9D] =	sst s1;
	(tag) =	ssettag s2;
	_ =	strace s9  }
0x27: {  	s1 =	sld [smem:$0x3FAD]  }
0x28: {  	s2 =	sld [smem:$0x3FAE]  }
0x29: {  	s4 =	sld [smem:$0x3FB0]  }
0x2a: {  	p0 =	seq.s32 s5, $0x0;
	s5 =	sld [smem:$0x3FB1]  }
0x2b: {  	s6 =	sld [smem:$0x3FB2]  }
0x2c: {  	s7 =	sld [smem:$0x3FB3]  }
0x2d: {  	s3 =	simm.s32 $0x108;
	s8 =	sld [smem:$0x3FB4]  }
0x2e: {  	s3 =	simm.s32 @!p0 $0x1082;
	s9 =	sld [smem:$0x3FB5]  }
0x2f: {  	lr =	sadd.s32 s0, s3;
	s0 =	sld [smem:$0x3FAC]  }
0x30: {  	s3 =	sld [smem:$0x3FAF]  }
0x31: {  	[smem:$0x3FB8] =	sst s10  }
0x32: {  	s10 =	sld [smem:$0x3FB6];
	_ =	sdelay $0x3  }
0x33: {  	p0 =	seq.s32 s10, $0x1;
	s10 =	sld [smem:$0x3FB8];
	_ =	sdelay $0x3  }
0x34: {  	[smem:$0x3FB8] =	sst s10  }
0x35: {  	s10 =	sld [smem:$0x3FB7];
	_ =	sdelay $0x3  }
0x36: {  	p1 =	seq.s32 s10, $0x1;
	s10 =	sld [smem:$0x3FB8];
	_ =	sdelay $0x3  }
0x37: {  	[smem:$0x3FB8] =	sst s10  }
0x38: {  	s10 =	sld [smem:$0x3FB9]  }
0x39: {  	_ = 	snop;
	(pc) =	sbr.ind lr, $3  }
0x3a: {  	_ = 	snop  }
0x3b: {  	_ = 	snop  }
0x3c: {  	p2 =	seq.s32 s10, $0x1;
	s10 =	sld [smem:$0x3FB8]  }
0x3d: {  	_ =	shalt  }
0x3e: {  	_ =	shalt  }
0x3f: {  	_ =	shalt  }
0x40: {  	_ =	shalt  }
0x41: {  	_ =	shalt  }
0x42: {  	_ =	shalt  }
0x43: {  	_ =	shalt  }
0x44: {  	_ =	shalt  }
0x45: {  	_ =	shalt  }
0x46: {  	_ =	shalt  }
0x47: {  	_ =	shalt  }
0x48: {  	_ =	shalt  }
0x49: {  	_ =	shalt  }
0x4a: {  	_ =	shalt  }
0x4b: {  	_ =	shalt  }
0x4c: {  	_ =	shalt  }
0x4d: {  	_ =	shalt  }
0x4e: {  	_ =	shalt  }
0x4f: {  	_ =	shalt  }
0x50: {  	_ =	shalt  }
0x51: {  	_ =	shalt  }
0x52: {  	_ =	shalt  }
0x53: {  	_ =	shalt  }
0x54: {  	_ =	shalt  }
0x55: {  	_ =	shalt  }
0x56: {  	_ =	shalt  }
0x57: {  	_ =	shalt  }
0x58: {  	_ =	shalt  }
0x59: {  	_ =	shalt  }
0x5a: {  	_ =	shalt  }
0x5b: {  	_ =	shalt  }
0x5c: {  	_ =	shalt  }
0x5d: {  	_ =	shalt  }
0x5e: {  	_ =	shalt  }
0x5f: {  	_ =	shalt  }
0x60: {  	_ =	shalt  }
0x61: {  	_ =	shalt  }
0x62: {  	_ =	shalt  }
0x63: {  	_ =	shalt  }
0x64: {  	_ =	shalt  }
0x65: {  	_ =	shalt  }
0x66: {  	_ =	shalt  }
0x67: {  	_ =	shalt  }
0x68: {  	_ =	shalt  }
0x69: {  	_ =	shalt  }
0x6a: {  	_ =	shalt  }
0x6b: {  	_ =	shalt  }
0x6c: {  	_ =	shalt  }
0x6d: {  	_ =	shalt  }
0x6e: {  	_ =	shalt  }
0x6f: {  	_ =	shalt  }
0x70: {  	_ =	shalt  }
0x71: {  	_ =	shalt  }
0x72: {  	_ =	shalt  }
0x73: {  	_ =	shalt  }
0x74: {  	_ =	shalt  }
0x75: {  	_ =	shalt  }
0x76: {  	_ =	shalt  }
0x77: {  	_ =	shalt  }
0x78: {  	_ =	shalt  }
0x79: {  	_ =	shalt  }
0x7a: {  	_ =	shalt  }
0x7b: {  	_ =	shalt  }
0x7c: {  	_ =	shalt  }
0x7d: {  	_ =	shalt  }
0x7e: {  	_ =	shalt  }
0x7f: {  	_ =	shalt  }
0x80: {  	_ =	shalt  }
0x81: {  	_ =	shalt  }
0x82: {  	_ =	shalt  }
0x83: {  	_ =	shalt  }
0x84: {  	_ =	shalt  }
0x85: {  	_ =	shalt  }
0x86: {  	_ =	shalt  }
0x87: {  	_ =	shalt  }
.Lfunc_end0:
.L_simem_size_0:
called_computation_lowered:
.L_overlay_start_0:
0x88: {  	s2 =	sld [smem:$0x3FD9]  }
0x89: {  	s3 =	sld [smem:$0x3FFE];
	_ =	sdelay $0x1  }
0x8a: {  	s1 =	srdreg.scid  }
0x8b: {  	s0 =	sand.u32 $0x1, s1  }
0x8c: {  	s14 =	sshll.u32 s0, $0xA;
	s2 =	sadd.s32 s3, s2  }
0x8d: {  	s2 =	sadd.s32 s2, s14  }
0x8e: {  	[smem:$0x3FC4] =	sst s2  }
0x8f: {  	_ = 	snop  }
0x90: {  	s2 =	sld [smem:$0x3FD0];
	_ =	sdelay $0x2  }
0x91: {  	s4 =	simm.s32 $0xA;
	s5 =	simm.s32 $0x10;
	s15 =	sld [smem:$0x3FC7]  }
0x92: {  	[smem:s5], [sflag:s4] =	dma.local [hbm:s2], $0x1  }
0x93: {  	_ =	swait.eq [sflag:s4], $0x1  }
0x94: {  	[sflag:s4] =	ssyncset.done $0x0  }
0x95: {  	[sflag:s4] =	ssyncadd.s32 $0xFFFFFFFF  }
0x96: {  	s16 =	sld [smem:$0x11];
	(tm) =	ssettm $0x1  }
0x97: {  	s17 =	sld [smem:$0x3FFB];
	_ =	sdelay $0x3  }
0x98: {  	_ =	strace s17  }
0x99: {  	s4 =	sld [smem:$0x3FFC];
	_ =	sdelay $0x3  }
0x9a: {  	_ =	strace s4  }
0x9b: {  	s4 =	sld [smem:$0x3FFD];
	_ =	sdelay $0x3  }
0x9c: {  	_ =	strace s4  }
0x9d: {  	_ =	strace $0x8FFFFFFF  }
0x9e: {  	s18 =	sld [smem:$0x3FDB];
	_ =	sdelay $0x1  }
0x9f: {  	s19 =	simm.s32 $_scs_section_size  }
0xa0: {  	s6 =	simm.s32 $_size__tile_overlayer_lowered;
	s7 =	simm.s32 $_tile_overlayer_lowered  }
0xa1: {  	s22 =	simm.s32 $0x1BFF;
	s21 =	sshll.u32 s7, $0x1;
	s4 =	sadd.s32 s19, s18  }
0xa2: {  	s8 =	simm.s32 $0x0;
	s20 =	sshll.u32 s6, $0x1;
	s6 =	sadd.s32 s21, s4  }
0xa3: {  	[timem:s8], [sflag:s22] =	dma.local [hbm:s6], s20  }
0xa4: {  	_ =	swait.ge [sflag:s22], s20  }
0xa5: {  	s5 =	ssub.s32 $0x0, s20;
	[sflag:s22] =	ssyncset.done $0x0  }
0xa6: {  	[sflag:s22] =	ssyncadd.s32 s5;
	_ =	sdelay $0x1  }
0xa7: {  	s23 =	simm.s32 $0x1B8B  }
0xa8: {  	_ =	swait.ge [sflag:s23], $0x1  }
0xa9: {  	[sflag:s23] =	ssyncset.done $0x0  }
0xaa: {  	s25 =	simm.s32 $0x1B8E;
	s24 =	sld [smem:$0x3FFE];
	[sflag:s23] =	ssyncadd.s32 $0xFFFFFFFF  }
0xab: {  	s26 =	simm.s32 $execute0_lowered;
	[smem:$0x3FD2] =	sst s25  }
0xac: {  	s6 =	sshll.u32 s26, $0x1;
	_ =	strace $0x80000046;
	[dreg:$0x1] =	wrdreg $0xFFFFFFFF  }
0xad: {  	s28 =	simm.s32 $_size_execute0_lowered;
	s4 =	sadd.s32 s4, s6;
	[dreg:$0x0] =	wrdreg $0x0  }
0xae: {  	s6 =	sshll.u32 s28, $0x1;
	[dreg:$0x2] =	wrdreg s4  }
0xaf: {  	[dreg:$0x3] =	wrdreg s6  }
0xb0: {  	[dreg:$0x4] =	wrdreg $0xC0  }
0xb1: {  	_ =	task [dreg:s8], $0x5FFFF  }
0xb2: {  	[dreg:$0x1] =	wrdreg $0xFFFFFFFF  }
0xb3: {  	[dreg:$0x0] =	wrdreg $0x60  }
0xb4: {  	[dreg:$0x2] =	wrdreg s24  }
0xb5: {  	[dreg:$0x3] =	wrdreg s15  }
0xb6: {  	[dreg:$0x4] =	wrdreg s16  }
0xb7: {  	[dreg:$0x5] =	wrdreg $0x9  }
0xb8: {  	_ =	task.clear_ibuf [dreg:s8], $0x6FFFF;
	_ =	strace $0x90000046  }
0xb9: {  	s29 =	simm.s32 $0x9;
	_ =	strace $0x80000048  }
0xba: {  	_ =	swait.ge [sflag:s29], $0x1  }
0xbb: {  	[sflag:s29] =	ssyncadd.s32 $0xFFFFFFFF  }
0xbc: {  	_ =	strace $0x90000048  }
0xbd: {  	_ =	sfence  }
0xbe: {  	s30 =	sld [smem:$0x0];
	_ =	sdelay $0x2  }
0xbf: {  	s31 =	sshll.u32 s1, $0xD;
	s1 =	sshrl.u32 s1, $0x2  }
0xc0: {  	s3 =	sand.u32 $0x4000, s31;
	s1 =	sadd.s32 s1, s30  }
0xc1: {  	s0 =	sor.u32 s3, s0;
	s1 =	sshll.u32 s1, $0x11  }
0xc2: {  	s0 =	sor.u32 s1, s0  }
0xc3: {  	s0 =	sadd.s32 $0x8F2B, s0  }
0xc4: {  	[sflag:s0] =	ssyncadd.remote.s32 $0x1  }
0xc5: {  	_ =	sfence.sel $0xFFFF  }
0xc6: {  	[dreg:$0x0] =	wrdreg $0xFFFFFFFF;
	(pc) =	sbr.abs _section_cstart, $3  }
0xc7: {  	[dreg:$0x1] =	wrdreg $0xFFFFFFFF  }
0xc8: {  	_ =	task.clear_ibuf [dreg:s8], $0x2FFFF;
	_ =	strace $0x9FFFFFFF  }
0xc9: {  	(tm) =	ssettm $0x7FFFFFFF  }
tec
execute0_lowered:
.L_overlay_start_1:
0x0: {  	(tag) =	ssettag $0x1  }
0x1: {  	s0 =	rddreg [dreg:$0x0];
	s1 =	srdreg.scid  }
0x2: {  	s2 =	rddreg [dreg:$0x1];
	s3 =	stileid.u32  }
0x3: {  	s4 =	rddreg [dreg:$0x2];
	p0 =	por $0x0, $0x0;
	s31 =	simm.s32 $0x2  }
0x4: {  	s1 =	sand.u32 $0x1, s1;
	[dreg:$0x5] =	wrdreg s2;
	s19 =	sshll.u32 s3, $0x6  }
0x5: {  	s2 =	simm.s32 $0x0;
	s0 =	sadd.s32 $0xE00, s0;
	s20 =	sshll.u32 s1, $0x5  }
0x6: {  	[smem:$0x7FF] =	sst s2;
	s1 =	ssub.s32 $0x2, s1;
	s3 =	sor.u32 s20, s19  }
0x7: {  	_ =	strace $0x80000047;
	s23 =	sshrl.u32 s1, $0x1;
	s5 =	smul.u32 $0xC00, s3  }
0x8: {  	[dreg:$0x4] =	wrdreg s0;
	s3 =	smul.u32 $0x6000, s3;
	s1 =	ssub.s32 s1, s23  }
0x9: {  	s0 =	rddreg [dreg:$0x4];
	s8 =	smax.u32 s1, $0x1;
	s26 =	sadd.s32 s4, s5  }
0xa: {  	s3 =	sshrl.u32 s3, $0x3;
	p1 =	sne.s32 s8, $0x1;
	s21 =	sadd.s32 $0xC00, s26  }
0xb: {  	s1 =	sadd.s32 $0xFFFFFFFF, s8;
	s22 =	sadd.s32 $0x1800, s26;
	[dreg:$0x6] =	wrdreg s21  }
0xc: {  	s8 =	simm.s32 $0x80;
	s24 =	sadd.s32 $0x2400, s26;
	[dreg:$0x7] =	wrdreg s22  }
0xd: {  	s25 =	sadd.s32 $0x3000, s26;
	s5 =	sadd.s32 $0x3C00, s26;
	[dreg:$0x8] =	wrdreg s24  }
0xe: {  	s6 =	sadd.s32 $0x4800, s26;
	s7 =	sadd.s32 $0x5400, s26;
	[dreg:$0x9] =	wrdreg s25  }
0xf: {  	s3 =	sadd.s32 s4, s3;
	s30 =	sadd.s32 $0x6000, s26;
	[dreg:$0xa] =	wrdreg s5  }
0x10: {  	s29 =	sadd.s32 $0x6C00, s26;
	s28 =	sadd.s32 $0x7800, s26;
	[dreg:$0xb] =	wrdreg s6  }
0x11: {  	[dreg:$0xc] =	wrdreg s7;
	s25 =	sadd.s32 $0x8400, s3;
	s24 =	sadd.s32 $0x9000, s3  }
0x12: {  	s23 =	sadd.s32 $0x9C00, s3;
	s22 =	sadd.s32 $0xA800, s3;
	s21 =	sadd.s32 $0xB400, s3  }
0x13: {  	s20 =	sadd.s32 $0xC000, s3;
	s19 =	sadd.s32 $0xCC00, s3;
	s18 =	sadd.s32 $0xD800, s3  }
.Ltmp0:
0x14: {  	s17 =	sadd.s32 $0xE400, s3;
	s16 =	sadd.s32 $0xF000, s3;
	(pc) =	sbr.rel @!p1 .LBB2_3-.Ltmp0, $4  }
0x15: {  	s15 =	sadd.s32 $0xFC00, s3;
	s14 =	sadd.s32 $0x10800, s3;
	s13 =	sadd.s32 $0x11400, s3  }
0x16: {  	s12 =	sadd.s32 $0x12000, s3;
	s11 =	sadd.s32 $0x12C00, s3;
	s10 =	sadd.s32 $0x13800, s3  }
0x17: {  	s9 =	sadd.s32 $0x14400, s3;
	s7 =	sadd.s32 $0x15000, s3;
	s6 =	sadd.s32 $0x15C00, s3  }
0x18: {  	vm0 =	vmmov $0xf;
	v0 =	vlaneseq.u32;
	s5 =	sadd.s32 $0x16800, s3;
	s4 =	sadd.s32 $0x17400, s3;
	s3 =	simm.s32 $0x1  }
0x19: {  	[tilespmem:s2], [sflag:$0x2] =	stream.linear.gather [hbm4b:s0+s2], $0x4, $0x38;
	[tilespmem:$0x6080] =	vst v63  }
0x1a: {  	_ =	swait.ge [sflag:s31], $0x4  }
0x1b: {  	[sflag:s31] =	ssyncset.done $0x0  }
0x1c: {  	[sflag:s31] =	ssyncadd.s32 $0xFFFFFFFC  }
0x1d: {  	v1 =	vld.msk [tilespmem:$0x0], $0xf;
	_ =	sdelay $0x4  }
0x1e: {  	v1 =	vmul.u32 $0x1800, v1;
	_ =	sdelay $0x1  }
0x1f: {  	v1 =	vperm.xlane v1, v0;
	_ =	sdelay $0x4  }
0x20: {  	s0 =	rddreg [dreg:$0x5]  }
0x21: {  	[tilespmem:s8], [sflag:$0x1] =	stream.indirect_vreg.gather [hbm4b:s0+s2], $0x1800, v1, vm0, $0x38;
	[tilespmem:$0x6080] =	vst v63  }
0x22: {  	_ =	swait.ge [sflag:s3], $0x6000  }
0x23: {  	[sflag:s3] =	ssyncset.done $0x0  }
0x24: {  	[dreg:$0xd] =	wrdreg s1;
	[sflag:s3] =	ssyncadd.s32 $0xFFFFA000  }
0x25: {  	[hbm4b:s26+s2] =	stream.linear.scatter [tilespmem:s8], [sflag:$0x1], $0x6000, $0x38;
	[tilespmem:$0x6080] =	vst v63  }
0x26: {  	s0 =	rddreg [dreg:$0x6]  }
0x27: {  	[hbm4b:s0+s2] =	stream.linear.scatter [tilespmem:s8], [sflag:$0x1], $0x6000, $0x38;
	[tilespmem:$0x6080] =	vst v63  }
0x28: {  	s1 =	rddreg [dreg:$0x7]  }
0x29: {  	[hbm4b:s1+s2] =	stream.linear.scatter [tilespmem:s8], [sflag:$0x1], $0x6000, $0x38;
	[tilespmem:$0x6080] =	vst v63  }
0x2a: {  	s0 =	rddreg [dreg:$0x8]  }
0x2b: {  	[hbm4b:s0+s2] =	stream.linear.scatter [tilespmem:s8], [sflag:$0x1], $0x6000, $0x38;
	[tilespmem:$0x6080] =	vst v63  }
0x2c: {  	s1 =	rddreg [dreg:$0x9]  }
0x2d: {  	[hbm4b:s1+s2] =	stream.linear.scatter [tilespmem:s8], [sflag:$0x1], $0x6000, $0x38;
	[tilespmem:$0x6080] =	vst v63  }
0x2e: {  	s0 =	rddreg [dreg:$0xa]  }
0x2f: {  	[hbm4b:s0+s2] =	stream.linear.scatter [tilespmem:s8], [sflag:$0x1], $0x6000, $0x38;
	[tilespmem:$0x6080] =	vst v63  }
0x30: {  	s1 =	rddreg [dreg:$0xb]  }
0x31: {  	[hbm4b:s1+s2] =	stream.linear.scatter [tilespmem:s8], [sflag:$0x1], $0x6000, $0x38;
	[tilespmem:$0x6080] =	vst v63  }
0x32: {  	s0 =	rddreg [dreg:$0xc]  }
0x33: {  	[hbm4b:s0+s2] =	stream.linear.scatter [tilespmem:s8], [sflag:$0x1], $0x6000, $0x38;
	[tilespmem:$0x6080] =	vst v63  }
0x34: {  	_ = 	snop  }
0x35: {  	[hbm4b:s30+s2] =	stream.linear.scatter [tilespmem:s8], [sflag:$0x1], $0x6000, $0x38;
	[tilespmem:$0x6080] =	vst v63  }
0x36: {  	_ =	swait.ge [sflag:s3], $0x6000  }
0x37: {  	[sflag:s3] =	ssyncset.done $0x0  }
0x38: {  	[sflag:s3] =	ssyncadd.s32 $0xFFFFA000  }
0x39: {  	[hbm4b:s29+s2] =	stream.linear.scatter [tilespmem:s8], [sflag:$0x1], $0x6000, $0x38;
	[tilespmem:$0x6080] =	vst v63  }
0x3a: {  	_ =	swait.ge [sflag:s3], $0x6000  }
0x3b: {  	[sflag:s3] =	ssyncset.done $0x0  }
0x3c: {  	[sflag:s3] =	ssyncadd.s32 $0xFFFFA000  }
0x3d: {  	[hbm4b:s28+s2] =	stream.linear.scatter [tilespmem:s8], [sflag:$0x1], $0x6000, $0x38;
	[tilespmem:$0x6080] =	vst v63  }
0x3e: {  	_ =	swait.ge [sflag:s3], $0x6000  }
0x3f: {  	[sflag:s3] =	ssyncset.done $0x0  }
0x40: {  	[sflag:s3] =	ssyncadd.s32 $0xFFFFA000  }
0x41: {  	[hbm4b:s25+s2] =	stream.linear.scatter [tilespmem:s8], [sflag:$0x1], $0x6000, $0x38;
	[tilespmem:$0x6080] =	vst v63  }
0x42: {  	_ =	swait.ge [sflag:s3], $0x6000  }
0x43: {  	[sflag:s3] =	ssyncset.done $0x0  }
0x44: {  	[sflag:s3] =	ssyncadd.s32 $0xFFFFA000  }
0x45: {  	[hbm4b:s24+s2] =	stream.linear.scatter [tilespmem:s8], [sflag:$0x1], $0x6000, $0x38;
	[tilespmem:$0x6080] =	vst v63  }
0x46: {  	_ =	swait.ge [sflag:s3], $0x6000  }
0x47: {  	[sflag:s3] =	ssyncset.done $0x0  }
0x48: {  	[sflag:s3] =	ssyncadd.s32 $0xFFFFA000  }
0x49: {  	[hbm4b:s23+s2] =	stream.linear.scatter [tilespmem:s8], [sflag:$0x1], $0x6000, $0x38;
	[tilespmem:$0x6080] =	vst v63  }
0x4a: {  	_ =	swait.ge [sflag:s3], $0x6000  }
0x4b: {  	[sflag:s3] =	ssyncset.done $0x0  }
0x4c: {  	[sflag:s3] =	ssyncadd.s32 $0xFFFFA000  }
0x4d: {  	[hbm4b:s22+s2] =	stream.linear.scatter [tilespmem:s8], [sflag:$0x1], $0x6000, $0x38;
	[tilespmem:$0x6080] =	vst v63  }
0x4e: {  	_ =	swait.ge [sflag:s3], $0x6000  }
0x4f: {  	[sflag:s3] =	ssyncset.done $0x0  }
0x50: {  	[sflag:s3] =	ssyncadd.s32 $0xFFFFA000  }
0x51: {  	[hbm4b:s21+s2] =	stream.linear.scatter [tilespmem:s8], [sflag:$0x1], $0x6000, $0x38;
	[tilespmem:$0x6080] =	vst v63  }
0x52: {  	_ =	swait.ge [sflag:s3], $0x6000  }
0x53: {  	[sflag:s3] =	ssyncset.done $0x0  }
0x54: {  	[sflag:s3] =	ssyncadd.s32 $0xFFFFA000  }
0x55: {  	[hbm4b:s20+s2] =	stream.linear.scatter [tilespmem:s8], [sflag:$0x1], $0x6000, $0x38;
	[tilespmem:$0x6080] =	vst v63  }
0x56: {  	_ =	swait.ge [sflag:s3], $0x6000  }
0x57: {  	[sflag:s3] =	ssyncset.done $0x0  }
0x58: {  	[sflag:s3] =	ssyncadd.s32 $0xFFFFA000  }
0x59: {  	[hbm4b:s19+s2] =	stream.linear.scatter [tilespmem:s8], [sflag:$0x1], $0x6000, $0x38;
	[tilespmem:$0x6080] =	vst v63  }
0x5a: {  	_ =	swait.ge [sflag:s3], $0x6000  }
0x5b: {  	[sflag:s3] =	ssyncset.done $0x0  }
0x5c: {  	[sflag:s3] =	ssyncadd.s32 $0xFFFFA000  }
0x5d: {  	[hbm4b:s18+s2] =	stream.linear.scatter [tilespmem:s8], [sflag:$0x1], $0x6000, $0x38;
	[tilespmem:$0x6080] =	vst v63  }
0x5e: {  	_ =	swait.ge [sflag:s3], $0x6000  }
0x5f: {  	[sflag:s3] =	ssyncset.done $0x0  }
0x60: {  	[sflag:s3] =	ssyncadd.s32 $0xFFFFA000  }
0x61: {  	[hbm4b:s17+s2] =	stream.linear.scatter [tilespmem:s8], [sflag:$0x1], $0x6000, $0x38;
	[tilespmem:$0x6080] =	vst v63  }
0x62: {  	_ =	swait.ge [sflag:s3], $0x6000  }
0x63: {  	[sflag:s3] =	ssyncset.done $0x0  }
0x64: {  	[sflag:s3] =	ssyncadd.s32 $0xFFFFA000  }
0x65: {  	[hbm4b:s16+s2] =	stream.linear.scatter [tilespmem:s8], [sflag:$0x1], $0x6000, $0x38;
	[tilespmem:$0x6080] =	vst v63  }
0x66: {  	_ =	swait.ge [sflag:s3], $0x6000  }
0x67: {  	[sflag:s3] =	ssyncset.done $0x0  }
0x68: {  	[sflag:s3] =	ssyncadd.s32 $0xFFFFA000  }
0x69: {  	[hbm4b:s15+s2] =	stream.linear.scatter [tilespmem:s8], [sflag:$0x1], $0x6000, $0x38;
	[tilespmem:$0x6080] =	vst v63  }
0x6a: {  	_ =	swait.ge [sflag:s3], $0x6000  }
0x6b: {  	[sflag:s3] =	ssyncset.done $0x0  }
0x6c: {  	[sflag:s3] =	ssyncadd.s32 $0xFFFFA000  }
0x6d: {  	[hbm4b:s14+s2] =	stream.linear.scatter [tilespmem:s8], [sflag:$0x1], $0x6000, $0x38;
	[tilespmem:$0x6080] =	vst v63  }
0x6e: {  	_ =	swait.ge [sflag:s3], $0x6000  }
0x6f: {  	[sflag:s3] =	ssyncset.done $0x0  }
0x70: {  	[sflag:s3] =	ssyncadd.s32 $0xFFFFA000  }
0x71: {  	[hbm4b:s13+s2] =	stream.linear.scatter [tilespmem:s8], [sflag:$0x1], $0x6000, $0x38;
	[tilespmem:$0x6080] =	vst v63  }
0x72: {  	_ =	swait.ge [sflag:s3], $0x6000  }
0x73: {  	[sflag:s3] =	ssyncset.done $0x0  }
0x74: {  	[sflag:s3] =	ssyncadd.s32 $0xFFFFA000  }
0x75: {  	[hbm4b:s12+s2] =	stream.linear.scatter [tilespmem:s8], [sflag:$0x1], $0x6000, $0x38;
	[tilespmem:$0x6080] =	vst v63  }
0x76: {  	_ =	swait.ge [sflag:s3], $0x6000  }
0x77: {  	[sflag:s3] =	ssyncset.done $0x0  }
0x78: {  	[sflag:s3] =	ssyncadd.s32 $0xFFFFA000  }
0x79: {  	[hbm4b:s11+s2] =	stream.linear.scatter [tilespmem:s8], [sflag:$0x1], $0x6000, $0x38;
	[tilespmem:$0x6080] =	vst v63  }
0x7a: {  	_ =	swait.ge [sflag:s3], $0x6000  }
0x7b: {  	[sflag:s3] =	ssyncset.done $0x0  }
0x7c: {  	[sflag:s3] =	ssyncadd.s32 $0xFFFFA000  }
0x7d: {  	[hbm4b:s10+s2] =	stream.linear.scatter [tilespmem:s8], [sflag:$0x1], $0x6000, $0x38;
	[tilespmem:$0x6080] =	vst v63  }
0x7e: {  	_ =	swait.ge [sflag:s3], $0x6000  }
0x7f: {  	[sflag:s3] =	ssyncset.done $0x0  }
0x80: {  	[sflag:s3] =	ssyncadd.s32 $0xFFFFA000  }
0x81: {  	[hbm4b:s9+s2] =	stream.linear.scatter [tilespmem:s8], [sflag:$0x1], $0x6000, $0x38;
	[tilespmem:$0x6080] =	vst v63  }
0x82: {  	_ =	swait.ge [sflag:s3], $0x6000  }
0x83: {  	[sflag:s3] =	ssyncset.done $0x0  }
0x84: {  	[sflag:s3] =	ssyncadd.s32 $0xFFFFA000  }
0x85: {  	[hbm4b:s7+s2] =	stream.linear.scatter [tilespmem:s8], [sflag:$0x1], $0x6000, $0x38;
	[tilespmem:$0x6080] =	vst v63  }
0x86: {  	_ =	swait.ge [sflag:s3], $0x6000  }
0x87: {  	[sflag:s3] =	ssyncset.done $0x0  }
0x88: {  	[sflag:s3] =	ssyncadd.s32 $0xFFFFA000  }
0x89: {  	[hbm4b:s6+s2] =	stream.linear.scatter [tilespmem:s8], [sflag:$0x1], $0x6000, $0x38;
	[tilespmem:$0x6080] =	vst v63  }
0x8a: {  	_ =	swait.ge [sflag:s3], $0x6000  }
0x8b: {  	[sflag:s3] =	ssyncset.done $0x0  }
0x8c: {  	[sflag:s3] =	ssyncadd.s32 $0xFFFFA000  }
0x8d: {  	[hbm4b:s5+s2] =	stream.linear.scatter [tilespmem:s8], [sflag:$0x1], $0x6000, $0x38;
	[tilespmem:$0x6080] =	vst v63  }
0x8e: {  	_ =	swait.ge [sflag:s3], $0x6000  }
0x8f: {  	[sflag:s3] =	ssyncset.done $0x0  }
0x90: {  	[sflag:s3] =	ssyncadd.s32 $0xFFFFA000  }
0x91: {  	[hbm4b:s4+s2] =	stream.linear.scatter [tilespmem:s8], [sflag:$0x1], $0x6000, $0x38;
	[tilespmem:$0x6080] =	vst v63  }
0x92: {  	_ =	swait.ge [sflag:s3], $0x6000  }
0x93: {  	[sflag:s3] =	ssyncset.done $0x0  }
0x94: {  	[sflag:s3] =	ssyncadd.s32 $0xFFFFA000  }
0x95: {  	_ =	swait.ge [sflag:s3], $0x6000  }
0x96: {  	[sflag:s3] =	ssyncset.done $0x0  }
0x97: {  	[sflag:s3] =	ssyncadd.s32 $0xFFFFA000  }
0x98: {  	_ =	swait.ge [sflag:s3], $0x6000  }
0x99: {  	[sflag:s3] =	ssyncset.done $0x0  }
0x9a: {  	[sflag:s3] =	ssyncadd.s32 $0xFFFFA000  }
0x9b: {  	_ =	swait.ge [sflag:s3], $0x6000  }
0x9c: {  	[sflag:s3] =	ssyncset.done $0x0  }
0x9d: {  	[sflag:s3] =	ssyncadd.s32 $0xFFFFA000  }
0x9e: {  	_ =	swait.ge [sflag:s3], $0x6000  }
0x9f: {  	[sflag:s3] =	ssyncset.done $0x0  }
0xa0: {  	[sflag:s3] =	ssyncadd.s32 $0xFFFFA000  }
0xa1: {  	_ =	swait.ge [sflag:s3], $0x6000  }
0xa2: {  	[sflag:s3] =	ssyncset.done $0x0  }
0xa3: {  	[sflag:s3] =	ssyncadd.s32 $0xFFFFA000  }
0xa4: {  	_ =	swait.ge [sflag:s3], $0x6000  }
0xa5: {  	[sflag:s3] =	ssyncset.done $0x0  }
0xa6: {  	[sflag:s3] =	ssyncadd.s32 $0xFFFFA000  }
0xa7: {  	_ =	swait.ge [sflag:s3], $0x6000  }
0xa8: {  	s1 =	rddreg [dreg:$0xd]  }
0xa9: {  	p1 =	sne.s32 s1, $0x1  }
.Ltmp1:
0xaa: {  	_ = 	snop;
	(pc) =	sbr.rel @!p1 .LBB2_3-.Ltmp1, $4  }
0xab: {  	[sflag:s3] =	ssyncset.done $0x0  }
0xac: {  	[sflag:s3] =	ssyncadd.s32 $0xFFFFA000  }
0xad: {  	p0 =	por $0x1, $0x1;
	_ =	swait.ge [sflag:s3], $0x6000  }
0xae: {  	s1 =	sadd.s32 $0xFFFFFFFF, s1;
	s0 =	rddreg [dreg:$0x4];
	[sflag:s3] =	ssyncset.done $0x0  }
.LBB2_2:
0xaf: {  	[sflag:s3] =	ssyncadd.s32 $0xFFFFA000  }
0xb0: {  	[tilespmem:s2], [sflag:$0x2] =	stream.linear.gather [hbm4b:s0+s2], $0x4, $0x38;
	[tilespmem:$0x6080] =	vst v63  }
0xb1: {  	_ =	swait.ge [sflag:s31], $0x4  }
0xb2: {  	[sflag:s31] =	ssyncset.done $0x0  }
0xb3: {  	[sflag:s31] =	ssyncadd.s32 $0xFFFFFFFC  }
0xb4: {  	v1 =	vld.msk [tilespmem:$0x0], $0xf;
	_ =	sdelay $0x4  }
0xb5: {  	v1 =	vmul.u32 $0x1800, v1;
	_ =	sdelay $0x1  }
0xb6: {  	v1 =	vperm.xlane v1, v0;
	_ =	sdelay $0x4  }
0xb7: {  	s0 =	rddreg [dreg:$0x5]  }
0xb8: {  	[tilespmem:s8], [sflag:$0x1] =	stream.indirect_vreg.gather [hbm4b:s0+s2], $0x1800, v1, vm0, $0x38;
	[tilespmem:$0x6080] =	vst v63  }
0xb9: {  	_ =	swait.ge [sflag:s3], $0x6000  }
0xba: {  	s31 =	smov.u32 s30;
	[sflag:s3] =	ssyncset.done $0x0  }
0xbb: {  	s30 =	smov.u32 s29;
	s29 =	smov.u32 s28;
	[sflag:s3] =	ssyncadd.s32 $0xFFFFA000  }
0xbc: {  	[hbm4b:s26+s2] =	stream.linear.scatter [tilespmem:s8], [sflag:$0x1], $0x6000, $0x38;
	[tilespmem:$0x6080] =	vst v63  }
0xbd: {  	s28 =	smov.u32 s26;
	s0 =	rddreg [dreg:$0x6];
	s26 =	smov.u32 s25  }
0xbe: {  	s25 =	smov.u32 s24;
	s24 =	smov.u32 s23;
	s23 =	smov.u32 s22  }
0xbf: {  	s22 =	smov.u32 s21;
	s21 =	smov.u32 s20;
	s20 =	smov.u32 s19  }
0xc0: {  	s19 =	smov.u32 s18;
	s18 =	smov.u32 s17;
	s17 =	smov.u32 s16  }
0xc1: {  	s16 =	smov.u32 s15;
	s15 =	smov.u32 s14;
	s14 =	smov.u32 s13  }
0xc2: {  	s13 =	smov.u32 s12;
	s12 =	smov.u32 s11;
	s11 =	smov.u32 s10  }
0xc3: {  	s10 =	smov.u32 s9;
	s9 =	smov.u32 s7;
	s7 =	smov.u32 s6  }
0xc4: {  	[hbm4b:s0+s2] =	stream.linear.scatter [tilespmem:s8], [sflag:$0x1], $0x6000, $0x38;
	[tilespmem:$0x6080] =	vst v63  }
0xc5: {  	s6 =	smov.u32 s5;
	s5 =	smov.u32 s4;
	s4 =	rddreg [dreg:$0x7]  }
0xc6: {  	[hbm4b:s4+s2] =	stream.linear.scatter [tilespmem:s8], [sflag:$0x1], $0x6000, $0x38;
	[tilespmem:$0x6080] =	vst v63  }
0xc7: {  	s0 =	rddreg [dreg:$0x8]  }
0xc8: {  	[hbm4b:s0+s2] =	stream.linear.scatter [tilespmem:s8], [sflag:$0x1], $0x6000, $0x38;
	[tilespmem:$0x6080] =	vst v63  }
0xc9: {  	s4 =	rddreg [dreg:$0x9]  }
0xca: {  	[hbm4b:s4+s2] =	stream.linear.scatter [tilespmem:s8], [sflag:$0x1], $0x6000, $0x38;
	[tilespmem:$0x6080] =	vst v63  }
0xcb: {  	s0 =	rddreg [dreg:$0xa]  }
0xcc: {  	[hbm4b:s0+s2] =	stream.linear.scatter [tilespmem:s8], [sflag:$0x1], $0x6000, $0x38;
	[tilespmem:$0x6080] =	vst v63  }
0xcd: {  	s4 =	rddreg [dreg:$0xb]  }
0xce: {  	[hbm4b:s4+s2] =	stream.linear.scatter [tilespmem:s8], [sflag:$0x1], $0x6000, $0x38;
	[tilespmem:$0x6080] =	vst v63  }
0xcf: {  	s0 =	rddreg [dreg:$0xc];
	s4 =	smov.u32 s5  }
0xd0: {  	s5 =	smov.u32 s6;
	s6 =	smov.u32 s7;
	s7 =	smov.u32 s9  }
0xd1: {  	s9 =	smov.u32 s10;
	s10 =	smov.u32 s11;
	s11 =	smov.u32 s12  }
0xd2: {  	s12 =	smov.u32 s13;
	s13 =	smov.u32 s14;
	s14 =	smov.u32 s15  }
0xd3: {  	s15 =	smov.u32 s16;
	s16 =	smov.u32 s17;
	s17 =	smov.u32 s18  }
0xd4: {  	s18 =	smov.u32 s19;
	s19 =	smov.u32 s20;
	s20 =	smov.u32 s21  }
0xd5: {  	s21 =	smov.u32 s22;
	s22 =	smov.u32 s23;
	s23 =	smov.u32 s24  }
0xd6: {  	s24 =	smov.u32 s25;
	s25 =	smov.u32 s26;
	s26 =	smov.u32 s28  }
0xd7: {  	[hbm4b:s0+s2] =	stream.linear.scatter [tilespmem:s8], [sflag:$0x1], $0x6000, $0x38;
	[tilespmem:$0x6080] =	vst v63  }
0xd8: {  	s28 =	smov.u32 s29;
	s29 =	smov.u32 s30;
	s30 =	smov.u32 s31  }
0xd9: {  	[hbm4b:s30+s2] =	stream.linear.scatter [tilespmem:s8], [sflag:$0x1], $0x6000, $0x38;
	[tilespmem:$0x6080] =	vst v63  }
0xda: {  	_ =	swait.ge [sflag:s3], $0x6000  }
0xdb: {  	[sflag:s3] =	ssyncset.done $0x0  }
0xdc: {  	[sflag:s3] =	ssyncadd.s32 $0xFFFFA000  }
0xdd: {  	[hbm4b:s29+s2] =	stream.linear.scatter [tilespmem:s8], [sflag:$0x1], $0x6000, $0x38;
	[tilespmem:$0x6080] =	vst v63  }
0xde: {  	_ =	swait.ge [sflag:s3], $0x6000  }
0xdf: {  	[sflag:s3] =	ssyncset.done $0x0  }
0xe0: {  	[sflag:s3] =	ssyncadd.s32 $0xFFFFA000  }
0xe1: {  	[hbm4b:s28+s2] =	stream.linear.scatter [tilespmem:s8], [sflag:$0x1], $0x6000, $0x38;
	[tilespmem:$0x6080] =	vst v63  }
0xe2: {  	_ =	swait.ge [sflag:s3], $0x6000  }
0xe3: {  	[sflag:s3] =	ssyncset.done $0x0  }
0xe4: {  	[sflag:s3] =	ssyncadd.s32 $0xFFFFA000  }
0xe5: {  	[hbm4b:s25+s2] =	stream.linear.scatter [tilespmem:s8], [sflag:$0x1], $0x6000, $0x38;
	[tilespmem:$0x6080] =	vst v63  }
0xe6: {  	_ =	swait.ge [sflag:s3], $0x6000  }
0xe7: {  	[sflag:s3] =	ssyncset.done $0x0  }
0xe8: {  	[sflag:s3] =	ssyncadd.s32 $0xFFFFA000  }
0xe9: {  	[hbm4b:s24+s2] =	stream.linear.scatter [tilespmem:s8], [sflag:$0x1], $0x6000, $0x38;
	[tilespmem:$0x6080] =	vst v63  }
0xea: {  	_ =	swait.ge [sflag:s3], $0x6000  }
0xeb: {  	[sflag:s3] =	ssyncset.done $0x0  }
0xec: {  	[sflag:s3] =	ssyncadd.s32 $0xFFFFA000  }
0xed: {  	[hbm4b:s23+s2] =	stream.linear.scatter [tilespmem:s8], [sflag:$0x1], $0x6000, $0x38;
	[tilespmem:$0x6080] =	vst v63  }
0xee: {  	_ =	swait.ge [sflag:s3], $0x6000  }
0xef: {  	[sflag:s3] =	ssyncset.done $0x0  }
0xf0: {  	[sflag:s3] =	ssyncadd.s32 $0xFFFFA000  }
0xf1: {  	[hbm4b:s22+s2] =	stream.linear.scatter [tilespmem:s8], [sflag:$0x1], $0x6000, $0x38;
	[tilespmem:$0x6080] =	vst v63  }
0xf2: {  	_ =	swait.ge [sflag:s3], $0x6000  }
0xf3: {  	[sflag:s3] =	ssyncset.done $0x0  }
0xf4: {  	[sflag:s3] =	ssyncadd.s32 $0xFFFFA000  }
0xf5: {  	[hbm4b:s21+s2] =	stream.linear.scatter [tilespmem:s8], [sflag:$0x1], $0x6000, $0x38;
	[tilespmem:$0x6080] =	vst v63  }
0xf6: {  	_ =	swait.ge [sflag:s3], $0x6000  }
0xf7: {  	[sflag:s3] =	ssyncset.done $0x0  }
0xf8: {  	[sflag:s3] =	ssyncadd.s32 $0xFFFFA000  }
0xf9: {  	[hbm4b:s20+s2] =	stream.linear.scatter [tilespmem:s8], [sflag:$0x1], $0x6000, $0x38;
	[tilespmem:$0x6080] =	vst v63  }
0xfa: {  	_ =	swait.ge [sflag:s3], $0x6000  }
0xfb: {  	[sflag:s3] =	ssyncset.done $0x0  }
0xfc: {  	[sflag:s3] =	ssyncadd.s32 $0xFFFFA000  }
0xfd: {  	[hbm4b:s19+s2] =	stream.linear.scatter [tilespmem:s8], [sflag:$0x1], $0x6000, $0x38;
	[tilespmem:$0x6080] =	vst v63  }
0xfe: {  	_ =	swait.ge [sflag:s3], $0x6000  }
0xff: {  	[sflag:s3] =	ssyncset.done $0x0  }
0x100: {  	[sflag:s3] =	ssyncadd.s32 $0xFFFFA000  }
0x101: {  	[hbm4b:s18+s2] =	stream.linear.scatter [tilespmem:s8], [sflag:$0x1], $0x6000, $0x38;
	[tilespmem:$0x6080] =	vst v63  }
0x102: {  	_ =	swait.ge [sflag:s3], $0x6000  }
0x103: {  	[sflag:s3] =	ssyncset.done $0x0  }
0x104: {  	[sflag:s3] =	ssyncadd.s32 $0xFFFFA000  }
0x105: {  	[hbm4b:s17+s2] =	stream.linear.scatter [tilespmem:s8], [sflag:$0x1], $0x6000, $0x38;
	[tilespmem:$0x6080] =	vst v63  }
0x106: {  	_ =	swait.ge [sflag:s3], $0x6000  }
0x107: {  	[sflag:s3] =	ssyncset.done $0x0  }
0x108: {  	[sflag:s3] =	ssyncadd.s32 $0xFFFFA000  }
0x109: {  	[hbm4b:s16+s2] =	stream.linear.scatter [tilespmem:s8], [sflag:$0x1], $0x6000, $0x38;
	[tilespmem:$0x6080] =	vst v63  }
0x10a: {  	_ =	swait.ge [sflag:s3], $0x6000  }
0x10b: {  	[sflag:s3] =	ssyncset.done $0x0  }
0x10c: {  	[sflag:s3] =	ssyncadd.s32 $0xFFFFA000  }
0x10d: {  	[hbm4b:s15+s2] =	stream.linear.scatter [tilespmem:s8], [sflag:$0x1], $0x6000, $0x38;
	[tilespmem:$0x6080] =	vst v63  }
0x10e: {  	_ =	swait.ge [sflag:s3], $0x6000  }
0x10f: {  	[sflag:s3] =	ssyncset.done $0x0  }
0x110: {  	[sflag:s3] =	ssyncadd.s32 $0xFFFFA000  }
0x111: {  	[hbm4b:s14+s2] =	stream.linear.scatter [tilespmem:s8], [sflag:$0x1], $0x6000, $0x38;
	[tilespmem:$0x6080] =	vst v63  }
0x112: {  	_ =	swait.ge [sflag:s3], $0x6000  }
0x113: {  	[sflag:s3] =	ssyncset.done $0x0  }
0x114: {  	[sflag:s3] =	ssyncadd.s32 $0xFFFFA000  }
0x115: {  	[hbm4b:s13+s2] =	stream.linear.scatter [tilespmem:s8], [sflag:$0x1], $0x6000, $0x38;
	[tilespmem:$0x6080] =	vst v63  }
0x116: {  	_ =	swait.ge [sflag:s3], $0x6000  }
0x117: {  	[sflag:s3] =	ssyncset.done $0x0  }
0x118: {  	[sflag:s3] =	ssyncadd.s32 $0xFFFFA000  }
0x119: {  	[hbm4b:s12+s2] =	stream.linear.scatter [tilespmem:s8], [sflag:$0x1], $0x6000, $0x38;
	[tilespmem:$0x6080] =	vst v63  }
0x11a: {  	_ =	swait.ge [sflag:s3], $0x6000  }
0x11b: {  	[sflag:s3] =	ssyncset.done $0x0  }
0x11c: {  	[sflag:s3] =	ssyncadd.s32 $0xFFFFA000  }
0x11d: {  	[hbm4b:s11+s2] =	stream.linear.scatter [tilespmem:s8], [sflag:$0x1], $0x6000, $0x38;
	[tilespmem:$0x6080] =	vst v63  }
0x11e: {  	_ =	swait.ge [sflag:s3], $0x6000  }
0x11f: {  	[sflag:s3] =	ssyncset.done $0x0  }
0x120: {  	[sflag:s3] =	ssyncadd.s32 $0xFFFFA000  }
0x121: {  	[hbm4b:s10+s2] =	stream.linear.scatter [tilespmem:s8], [sflag:$0x1], $0x6000, $0x38;
	[tilespmem:$0x6080] =	vst v63  }
0x122: {  	_ =	swait.ge [sflag:s3], $0x6000  }
0x123: {  	[sflag:s3] =	ssyncset.done $0x0  }
0x124: {  	[sflag:s3] =	ssyncadd.s32 $0xFFFFA000  }
0x125: {  	[hbm4b:s9+s2] =	stream.linear.scatter [tilespmem:s8], [sflag:$0x1], $0x6000, $0x38;
	[tilespmem:$0x6080] =	vst v63  }
0x126: {  	_ =	swait.ge [sflag:s3], $0x6000  }
0x127: {  	[sflag:s3] =	ssyncset.done $0x0  }
0x128: {  	[sflag:s3] =	ssyncadd.s32 $0xFFFFA000  }
0x129: {  	[hbm4b:s7+s2] =	stream.linear.scatter [tilespmem:s8], [sflag:$0x1], $0x6000, $0x38;
	[tilespmem:$0x6080] =	vst v63  }
0x12a: {  	_ =	swait.ge [sflag:s3], $0x6000  }
0x12b: {  	[sflag:s3] =	ssyncset.done $0x0  }
0x12c: {  	[sflag:s3] =	ssyncadd.s32 $0xFFFFA000  }
0x12d: {  	[hbm4b:s6+s2] =	stream.linear.scatter [tilespmem:s8], [sflag:$0x1], $0x6000, $0x38;
	[tilespmem:$0x6080] =	vst v63  }
0x12e: {  	_ =	swait.ge [sflag:s3], $0x6000  }
0x12f: {  	[sflag:s3] =	ssyncset.done $0x0  }
0x130: {  	[sflag:s3] =	ssyncadd.s32 $0xFFFFA000  }
0x131: {  	[hbm4b:s5+s2] =	stream.linear.scatter [tilespmem:s8], [sflag:$0x1], $0x6000, $0x38;
	[tilespmem:$0x6080] =	vst v63  }
0x132: {  	_ =	swait.ge [sflag:s3], $0x6000  }
0x133: {  	[sflag:s3] =	ssyncset.done $0x0  }
0x134: {  	[sflag:s3] =	ssyncadd.s32 $0xFFFFA000  }
0x135: {  	[hbm4b:s4+s2] =	stream.linear.scatter [tilespmem:s8], [sflag:$0x1], $0x6000, $0x38;
	[tilespmem:$0x6080] =	vst v63  }
0x136: {  	_ =	swait.ge [sflag:s3], $0x6000  }
0x137: {  	[sflag:s3] =	ssyncset.done $0x0  }
0x138: {  	[sflag:s3] =	ssyncadd.s32 $0xFFFFA000  }
0x139: {  	_ =	swait.ge [sflag:s3], $0x6000  }
0x13a: {  	[sflag:s3] =	ssyncset.done $0x0  }
0x13b: {  	[sflag:s3] =	ssyncadd.s32 $0xFFFFA000  }
0x13c: {  	_ =	swait.ge [sflag:s3], $0x6000  }
0x13d: {  	[sflag:s3] =	ssyncset.done $0x0  }
0x13e: {  	[sflag:s3] =	ssyncadd.s32 $0xFFFFA000  }
0x13f: {  	_ =	swait.ge [sflag:s3], $0x6000  }
0x140: {  	[sflag:s3] =	ssyncset.done $0x0  }
0x141: {  	[sflag:s3] =	ssyncadd.s32 $0xFFFFA000  }
0x142: {  	_ =	swait.ge [sflag:s3], $0x6000  }
0x143: {  	[sflag:s3] =	ssyncset.done $0x0  }
0x144: {  	[sflag:s3] =	ssyncadd.s32 $0xFFFFA000  }
0x145: {  	_ =	swait.ge [sflag:s3], $0x6000  }
0x146: {  	[sflag:s3] =	ssyncset.done $0x0  }
0x147: {  	[sflag:s3] =	ssyncadd.s32 $0xFFFFA000  }
0x148: {  	_ =	swait.ge [sflag:s3], $0x6000  }
0x149: {  	[sflag:s3] =	ssyncset.done $0x0  }
0x14a: {  	p1 =	sne.s32 s1, $0x1;
	[sflag:s3] =	ssyncadd.s32 $0xFFFFA000  }
.Ltmp2:
0x14b: {  	_ =	swait.ge [sflag:s3], $0x6000;
	(pc) =	sbr.rel @p1 .LBB2_2-.Ltmp2, $4  }
0x14c: {  	[sflag:s3] =	ssyncset.done $0x0  }
0x14d: {  	[sflag:s3] =	ssyncadd.s32 $0xFFFFA000  }
0x14e: {  	s1 =	sadd.s32 $0xFFFFFFFF, s1;
	_ =	swait.ge [sflag:s3], $0x6000  }
0x14f: {  	s31 =	simm.s32 $0x2;
	s0 =	rddreg [dreg:$0x4];
	[sflag:s3] =	ssyncset.done $0x0  }
.LBB2_3:
0x150: {  	[sflag:s3] =	ssyncadd.s32 @p0 $0xFFFFA000  }
0x151: {  	[tilespmem:s2], [sflag:$0x2] =	stream.linear.gather [hbm4b:s0+s2], $0x4, $0x38;
	[tilespmem:$0x6080] =	vst v63  }
0x152: {  	_ =	swait.ge [sflag:s31], $0x4  }
0x153: {  	[sflag:s31] =	ssyncset.done $0x0  }
0x154: {  	[sflag:s31] =	ssyncadd.s32 $0xFFFFFFFC  }
0x155: {  	v1 =	vld.msk [tilespmem:$0x0], $0xf;
	_ =	sdelay $0x4  }
0x156: {  	v1 =	vmul.u32 $0x1800, v1;
	_ =	sdelay $0x1  }
0x157: {  	v0 =	vperm.xlane v1, v0;
	_ =	sdelay $0x4  }
0x158: {  	s1 =	rddreg [dreg:$0x5]  }
0x159: {  	[tilespmem:s8], [sflag:$0x1] =	stream.indirect_vreg.gather [hbm4b:s1+s2], $0x1800, v0, vm0, $0x38;
	[tilespmem:$0x6080] =	vst v63  }
0x15a: {  	_ =	swait.ge [sflag:s3], $0x6000  }
0x15b: {  	[sflag:s3] =	ssyncset.done $0x0  }
0x15c: {  	[sflag:s3] =	ssyncadd.s32 $0xFFFFA000  }
0x15d: {  	[hbm4b:s26+s2] =	stream.linear.scatter [tilespmem:s8], [sflag:$0x1], $0x6000, $0x38;
	[tilespmem:$0x6080] =	vst v63  }
0x15e: {  	s31 =	rddreg [dreg:$0x6]  }
0x15f: {  	[hbm4b:s31+s2] =	stream.linear.scatter [tilespmem:s8], [sflag:$0x1], $0x6000, $0x38;
	[tilespmem:$0x6080] =	vst v63  }
0x160: {  	s1 =	rddreg [dreg:$0x7]  }
0x161: {  	[hbm4b:s1+s2] =	stream.linear.scatter [tilespmem:s8], [sflag:$0x1], $0x6000, $0x38;
	[tilespmem:$0x6080] =	vst v63  }
0x162: {  	s26 =	rddreg [dreg:$0x8]  }
0x163: {  	[hbm4b:s26+s2] =	stream.linear.scatter [tilespmem:s8], [sflag:$0x1], $0x6000, $0x38;
	[tilespmem:$0x6080] =	vst v63  }
0x164: {  	s31 =	rddreg [dreg:$0x9]  }
0x165: {  	[hbm4b:s31+s2] =	stream.linear.scatter [tilespmem:s8], [sflag:$0x1], $0x6000, $0x38;
	[tilespmem:$0x6080] =	vst v63  }
0x166: {  	s26 =	rddreg [dreg:$0xa]  }
0x167: {  	[hbm4b:s26+s2] =	stream.linear.scatter [tilespmem:s8], [sflag:$0x1], $0x6000, $0x38;
	[tilespmem:$0x6080] =	vst v63  }
0x168: {  	s31 =	rddreg [dreg:$0xb]  }
0x169: {  	[hbm4b:s31+s2] =	stream.linear.scatter [tilespmem:s8], [sflag:$0x1], $0x6000, $0x38;
	[tilespmem:$0x6080] =	vst v63  }
0x16a: {  	s26 =	rddreg [dreg:$0xc]  }
0x16b: {  	[hbm4b:s26+s2] =	stream.linear.scatter [tilespmem:s8], [sflag:$0x1], $0x6000, $0x38;
	[tilespmem:$0x6080] =	vst v63  }
0x16c: {  	_ = 	snop  }
0x16d: {  	[hbm4b:s30+s2] =	stream.linear.scatter [tilespmem:s8], [sflag:$0x1], $0x6000, $0x38;
	[tilespmem:$0x6080] =	vst v63  }
0x16e: {  	_ =	swait.ge [sflag:s3], $0x6000  }
0x16f: {  	[sflag:s3] =	ssyncset.done $0x0  }
0x170: {  	[sflag:s3] =	ssyncadd.s32 $0xFFFFA000  }
0x171: {  	[hbm4b:s29+s2] =	stream.linear.scatter [tilespmem:s8], [sflag:$0x1], $0x6000, $0x38;
	[tilespmem:$0x6080] =	vst v63  }
0x172: {  	_ =	swait.ge [sflag:s3], $0x6000  }
0x173: {  	[sflag:s3] =	ssyncset.done $0x0  }
0x174: {  	[sflag:s3] =	ssyncadd.s32 $0xFFFFA000  }
0x175: {  	[hbm4b:s28+s2] =	stream.linear.scatter [tilespmem:s8], [sflag:$0x1], $0x6000, $0x38;
	[tilespmem:$0x6080] =	vst v63  }
0x176: {  	_ =	swait.ge [sflag:s3], $0x6000  }
0x177: {  	[sflag:s3] =	ssyncset.done $0x0  }
0x178: {  	[sflag:s3] =	ssyncadd.s32 $0xFFFFA000  }
0x179: {  	[hbm4b:s25+s2] =	stream.linear.scatter [tilespmem:s8], [sflag:$0x1], $0x6000, $0x38;
	[tilespmem:$0x6080] =	vst v63  }
0x17a: {  	_ =	swait.ge [sflag:s3], $0x6000  }
0x17b: {  	[sflag:s3] =	ssyncset.done $0x0  }
0x17c: {  	[sflag:s3] =	ssyncadd.s32 $0xFFFFA000  }
0x17d: {  	[hbm4b:s24+s2] =	stream.linear.scatter [tilespmem:s8], [sflag:$0x1], $0x6000, $0x38;
	[tilespmem:$0x6080] =	vst v63  }
0x17e: {  	_ =	swait.ge [sflag:s3], $0x6000  }
0x17f: {  	[sflag:s3] =	ssyncset.done $0x0  }
0x180: {  	[sflag:s3] =	ssyncadd.s32 $0xFFFFA000  }
0x181: {  	[hbm4b:s23+s2] =	stream.linear.scatter [tilespmem:s8], [sflag:$0x1], $0x6000, $0x38;
	[tilespmem:$0x6080] =	vst v63  }
0x182: {  	_ =	swait.ge [sflag:s3], $0x6000  }
0x183: {  	[sflag:s3] =	ssyncset.done $0x0  }
0x184: {  	[sflag:s3] =	ssyncadd.s32 $0xFFFFA000  }
0x185: {  	[hbm4b:s22+s2] =	stream.linear.scatter [tilespmem:s8], [sflag:$0x1], $0x6000, $0x38;
	[tilespmem:$0x6080] =	vst v63  }
0x186: {  	_ =	swait.ge [sflag:s3], $0x6000  }
0x187: {  	[sflag:s3] =	ssyncset.done $0x0  }
0x188: {  	[sflag:s3] =	ssyncadd.s32 $0xFFFFA000  }
0x189: {  	[hbm4b:s21+s2] =	stream.linear.scatter [tilespmem:s8], [sflag:$0x1], $0x6000, $0x38;
	[tilespmem:$0x6080] =	vst v63  }
0x18a: {  	_ =	swait.ge [sflag:s3], $0x6000  }
0x18b: {  	[sflag:s3] =	ssyncset.done $0x0  }
0x18c: {  	[sflag:s3] =	ssyncadd.s32 $0xFFFFA000  }
0x18d: {  	[hbm4b:s20+s2] =	stream.linear.scatter [tilespmem:s8], [sflag:$0x1], $0x6000, $0x38;
	[tilespmem:$0x6080] =	vst v63  }
0x18e: {  	_ =	swait.ge [sflag:s3], $0x6000  }
0x18f: {  	[sflag:s3] =	ssyncset.done $0x0  }
0x190: {  	[sflag:s3] =	ssyncadd.s32 $0xFFFFA000  }
0x191: {  	[hbm4b:s19+s2] =	stream.linear.scatter [tilespmem:s8], [sflag:$0x1], $0x6000, $0x38;
	[tilespmem:$0x6080] =	vst v63  }
0x192: {  	_ =	swait.ge [sflag:s3], $0x6000  }
0x193: {  	[sflag:s3] =	ssyncset.done $0x0  }
0x194: {  	[sflag:s3] =	ssyncadd.s32 $0xFFFFA000  }
0x195: {  	[hbm4b:s18+s2] =	stream.linear.scatter [tilespmem:s8], [sflag:$0x1], $0x6000, $0x38;
	[tilespmem:$0x6080] =	vst v63  }
0x196: {  	_ =	swait.ge [sflag:s3], $0x6000  }
0x197: {  	[sflag:s3] =	ssyncset.done $0x0  }
0x198: {  	[sflag:s3] =	ssyncadd.s32 $0xFFFFA000  }
0x199: {  	[hbm4b:s17+s2] =	stream.linear.scatter [tilespmem:s8], [sflag:$0x1], $0x6000, $0x38;
	[tilespmem:$0x6080] =	vst v63  }
0x19a: {  	_ =	swait.ge [sflag:s3], $0x6000  }
0x19b: {  	[sflag:s3] =	ssyncset.done $0x0  }
0x19c: {  	[sflag:s3] =	ssyncadd.s32 $0xFFFFA000  }
0x19d: {  	[hbm4b:s16+s2] =	stream.linear.scatter [tilespmem:s8], [sflag:$0x1], $0x6000, $0x38;
	[tilespmem:$0x6080] =	vst v63  }
0x19e: {  	_ =	swait.ge [sflag:s3], $0x6000  }
0x19f: {  	[sflag:s3] =	ssyncset.done $0x0  }
0x1a0: {  	[sflag:s3] =	ssyncadd.s32 $0xFFFFA000  }
0x1a1: {  	[hbm4b:s15+s2] =	stream.linear.scatter [tilespmem:s8], [sflag:$0x1], $0x6000, $0x38;
	[tilespmem:$0x6080] =	vst v63  }
0x1a2: {  	_ =	swait.ge [sflag:s3], $0x6000  }
0x1a3: {  	[sflag:s3] =	ssyncset.done $0x0  }
0x1a4: {  	[sflag:s3] =	ssyncadd.s32 $0xFFFFA000  }
0x1a5: {  	[hbm4b:s14+s2] =	stream.linear.scatter [tilespmem:s8], [sflag:$0x1], $0x6000, $0x38;
	[tilespmem:$0x6080] =	vst v63  }
0x1a6: {  	_ =	swait.ge [sflag:s3], $0x6000  }
0x1a7: {  	[sflag:s3] =	ssyncset.done $0x0  }
0x1a8: {  	[sflag:s3] =	ssyncadd.s32 $0xFFFFA000  }
0x1a9: {  	[hbm4b:s13+s2] =	stream.linear.scatter [tilespmem:s8], [sflag:$0x1], $0x6000, $0x38;
	[tilespmem:$0x6080] =	vst v63  }
0x1aa: {  	_ =	swait.ge [sflag:s3], $0x6000  }
0x1ab: {  	[sflag:s3] =	ssyncset.done $0x0  }
0x1ac: {  	[sflag:s3] =	ssyncadd.s32 $0xFFFFA000  }
0x1ad: {  	[hbm4b:s12+s2] =	stream.linear.scatter [tilespmem:s8], [sflag:$0x1], $0x6000, $0x38;
	[tilespmem:$0x6080] =	vst v63  }
0x1ae: {  	_ =	swait.ge [sflag:s3], $0x6000  }
0x1af: {  	[sflag:s3] =	ssyncset.done $0x0  }
0x1b0: {  	[sflag:s3] =	ssyncadd.s32 $0xFFFFA000  }
0x1b1: {  	[hbm4b:s11+s2] =	stream.linear.scatter [tilespmem:s8], [sflag:$0x1], $0x6000, $0x38;
	[tilespmem:$0x6080] =	vst v63  }
0x1b2: {  	_ =	swait.ge [sflag:s3], $0x6000  }
0x1b3: {  	[sflag:s3] =	ssyncset.done $0x0  }
0x1b4: {  	[sflag:s3] =	ssyncadd.s32 $0xFFFFA000  }
0x1b5: {  	[hbm4b:s10+s2] =	stream.linear.scatter [tilespmem:s8], [sflag:$0x1], $0x6000, $0x38;
	[tilespmem:$0x6080] =	vst v63  }
0x1b6: {  	_ =	swait.ge [sflag:s3], $0x6000  }
0x1b7: {  	[sflag:s3] =	ssyncset.done $0x0  }
0x1b8: {  	[sflag:s3] =	ssyncadd.s32 $0xFFFFA000  }
0x1b9: {  	[hbm4b:s9+s2] =	stream.linear.scatter [tilespmem:s8], [sflag:$0x1], $0x6000, $0x38;
	[tilespmem:$0x6080] =	vst v63  }
0x1ba: {  	_ =	swait.ge [sflag:s3], $0x6000  }
0x1bb: {  	[sflag:s3] =	ssyncset.done $0x0  }
0x1bc: {  	[sflag:s3] =	ssyncadd.s32 $0xFFFFA000  }
0x1bd: {  	[hbm4b:s7+s2] =	stream.linear.scatter [tilespmem:s8], [sflag:$0x1], $0x6000, $0x38;
	[tilespmem:$0x6080] =	vst v63  }
0x1be: {  	_ =	swait.ge [sflag:s3], $0x6000  }
0x1bf: {  	[sflag:s3] =	ssyncset.done $0x0  }
0x1c0: {  	[sflag:s3] =	ssyncadd.s32 $0xFFFFA000  }
0x1c1: {  	[hbm4b:s6+s2] =	stream.linear.scatter [tilespmem:s8], [sflag:$0x1], $0x6000, $0x38;
	[tilespmem:$0x6080] =	vst v63  }
0x1c2: {  	_ =	swait.ge [sflag:s3], $0x6000  }
0x1c3: {  	[sflag:s3] =	ssyncset.done $0x0  }
0x1c4: {  	[sflag:s3] =	ssyncadd.s32 $0xFFFFA000  }
0x1c5: {  	[hbm4b:s5+s2] =	stream.linear.scatter [tilespmem:s8], [sflag:$0x1], $0x6000, $0x38;
	[tilespmem:$0x6080] =	vst v63  }
0x1c6: {  	_ =	swait.ge [sflag:s3], $0x6000  }
0x1c7: {  	[sflag:s3] =	ssyncset.done $0x0  }
0x1c8: {  	[sflag:s3] =	ssyncadd.s32 $0xFFFFA000  }
0x1c9: {  	[hbm4b:s4+s2] =	stream.linear.scatter [tilespmem:s8], [sflag:$0x1], $0x6000, $0x38;
	[tilespmem:$0x6080] =	vst v63  }
0x1ca: {  	_ =	swait.ge [sflag:s3], $0x6000  }
0x1cb: {  	[sflag:s3] =	ssyncset.done $0x0  }
0x1cc: {  	[sflag:s3] =	ssyncadd.s32 $0xFFFFA000  }
0x1cd: {  	_ =	swait.ge [sflag:s3], $0x6000  }
0x1ce: {  	[sflag:s3] =	ssyncset.done $0x0  }
0x1cf: {  	[sflag:s3] =	ssyncadd.s32 $0xFFFFA000  }
0x1d0: {  	_ =	swait.ge [sflag:s3], $0x6000  }
0x1d1: {  	[sflag:s3] =	ssyncset.done $0x0  }
0x1d2: {  	[sflag:s3] =	ssyncadd.s32 $0xFFFFA000  }
0x1d3: {  	_ =	swait.ge [sflag:s3], $0x6000  }
0x1d4: {  	[sflag:s3] =	ssyncset.done $0x0  }
0x1d5: {  	[sflag:s3] =	ssyncadd.s32 $0xFFFFA000  }
0x1d6: {  	_ =	swait.ge [sflag:s3], $0x6000  }
0x1d7: {  	[sflag:s3] =	ssyncset.done $0x0  }
0x1d8: {  	[sflag:s3] =	ssyncadd.s32 $0xFFFFA000  }
0x1d9: {  	_ =	swait.ge [sflag:s3], $0x6000  }
0x1da: {  	[sflag:s3] =	ssyncset.done $0x0  }
0x1db: {  	[sflag:s3] =	ssyncadd.s32 $0xFFFFA000  }
0x1dc: {  	_ =	swait.ge [sflag:s3], $0x6000  }
0x1dd: {  	[sflag:s3] =	ssyncset.done $0x0  }
0x1de: {  	[sflag:s3] =	ssyncadd.s32 $0xFFFFA000  }
0x1df: {  	_ =	swait.ge [sflag:s3], $0x6000  }
0x1e0: {  	[sflag:s3] =	ssyncset.done $0x0  }
0x1e1: {  	[sflag:s3] =	ssyncadd.s32 $0xFFFFA000  }
0x1e2: {  	_ =	swait.ge [sflag:s3], $0x6000  }
0x1e3: {  	[sflag:s3] =	ssyncset.done $0x0  }
0x1e4: {  	[sflag:s3] =	ssyncadd.s32 $0xFFFFA000  }
0x1e5: {  	_ =	sfence.sel $0x180000  }
0x1e6: {  	[bflag:$0x0] =	sbarrier.arrive $0xFFFF  }
0x1e7: {  	_ =	strace $0x90000047  }
0x1e8: {  	s31 =	stileid.u32;
	[bflag:$0x2] =	sbarrier.arrive $0xFFFF  }
0x1e9: {  	p0 =	sne.s32 s31, $0x0;
	s0 =	rddreg [dreg:$0x3]  }
0x1ea: {  	s0 =	sadd.s32 @!p0 $0x100000, s0  }
0x1eb: {  	[sflag:s0] =	ssyncadd.tile.s32 @!p0 $0x1;
	_ =	shalt  }
.Lfunc_end2:
_tile_overlayer_lowered:
.L_overlay_start_2:
0x1ec: {  	(tag) =	ssettag $0x2  }
0x1ed: {  	s0 =	rddreg [dreg:$0x0];
	s2 =	stileid.u32  }
0x1ee: {  	s1 =	rddreg [dreg:$0x1];
	p0 =	sne.s32 s2, $0x0  }
0x1ef: {  	s3 =	rddreg [dreg:$0x2];
	[bflag:$0x3] =	sbarrier.arrive $0xFFFF;
	s2 =	simm.s32 @!p0 $0x1C02  }
0x1f0: {  	[timem:s3], [sflag:s2] =	dma.local @!p0 [hbm:s0], s1  }
0x1f1: {  	s0 =	simm.s32 @!p0 $0x2  }
0x1f2: {  	_ =	swait.ge @!p0 [sflag:s0], s1  }
0x1f3: {  	s1 =	ssub.s32 @!p0 $0x0, s1;
	[sflag:s0] =	ssyncset.done @!p0 $0x0  }
0x1f4: {  	[sflag:s0] =	ssyncadd.s32 @!p0 s1  }
0x1f5: {  	[bflag:$0x3] =	sbarrier.arrive $0xFFFF  }
0x1f6: {  	_ =	shalt  }

</sc_bundles>
